<compile_context>
chip_gen: v7x
topology: tpu7x:2x2x1
jax: 0.10.2.dev20260603
libtpu: 0.0.44.dev20260713+nightly
codegen_flags: <defaults>
</compile_context>

<pallas_src>
import functools

import jax
import jax.numpy as jnp
from jax import lax
from jax.experimental import pallas as pl
from jax.experimental.pallas import tpu as pltpu
from jax.experimental.pallas import tpu_sc as plsc

T, D, F, E = 2048, 1024, 512, 8
BM = 256
BM_LOG2 = 8
NB = T // BM
NW = 32
CHUNK = T // NW


def _silu(x):
    return x * jax.nn.sigmoid(x)


KD = 4


def _router_body(x_ref, wr_ref, pos_ref, meta_ref, acc_ref):
    k = pl.program_id(0)
    x = x_ref[...]
    part = jnp.dot(x, wr_ref[...], preferred_element_type=jnp.float32)

    @pl.when(k == 0)
    def _first():
        acc_ref[...] = part

    @pl.when(k > 0)
    def _acc():
        acc_ref[...] += part

    @pl.when(k == KD - 1)
    def _finish():
        _router_tail(acc_ref[...], pos_ref, meta_ref)


def _router_tail(logits, pos_ref, meta_ref):
    idx = jnp.argmax(logits, axis=1)
    onehot = (jax.lax.broadcasted_iota(jnp.int32, (E, T), 0)
              == idx[None, :]).astype(jnp.int32)
    csum = onehot
    k = 1
    while k < T:
        csum = csum + jnp.concatenate(
            [jnp.zeros((E, k), jnp.int32), csum[:, :T - k]], axis=1)
        k *= 2
    counts = csum[:, T - 1]
    ir = jax.lax.broadcasted_iota(jnp.int32, (E, E), 0)
    ic = jax.lax.broadcasted_iota(jnp.int32, (E, E), 1)
    off = jnp.sum(jnp.where(ir < ic, counts[:, None], 0), axis=0)
    seg_hi = off + counts
    rank = jnp.sum(jnp.where(onehot == 1, csum - 1, 0), axis=0)
    base = jnp.sum(jnp.where(onehot == 1, off[:, None], 0), axis=0)
    pos_ref[...] = rank + base

    nz = counts > 0
    blo = jnp.where(nz, jnp.right_shift(off, BM_LOG2), 0)
    bhi = jnp.where(nz, jnp.right_shift(seg_hi + (BM - 1), BM_LOG2), 0)
    meta_ref[...] = jnp.concatenate(
        [blo[None, :], bhi[None, :], off[None, :], seg_hi[None, :]], axis=0)


def _router(x, Wr):
    return pl.pallas_call(
        _router_body,
        grid=(KD,),
        in_specs=[
            pl.BlockSpec((T, D // KD), lambda k: (0, k)),
            pl.BlockSpec((D // KD, E), lambda k: (k, 0)),
        ],
        out_specs=(
            pl.BlockSpec((T,), lambda k: (0,)),
            pl.BlockSpec((4, E), lambda k: (0, 0)),
        ),
        out_shape=(
            jax.ShapeDtypeStruct((T,), jnp.int32),
            jax.ShapeDtypeStruct((4, E), jnp.int32),
        ),
        scratch_shapes=[pltpu.VMEM((T, E), jnp.float32)],
    )(x, Wr)


@functools.cache
def _sc_kernels():
    mesh = plsc.VectorSubcoreMesh(core_axis_name="c", subcore_axis_name="s")

    @functools.partial(
        pl.kernel,
        out_type=jax.ShapeDtypeStruct((T, D), jnp.float32),
        mesh=mesh,
        scratch_types=[
            pltpu.VMEM((CHUNK,), jnp.int32),
            pltpu.VMEM((CHUNK, D), jnp.float32),
            pltpu.SemaphoreType.DMA,
        ],
    )
    def sc_scatter(x_hbm, pos_hbm, xs_hbm, idx_v, rows_v, sem):
        wid = lax.axis_index("s") * 2 + lax.axis_index("c")
        base = wid * CHUNK
        pltpu.sync_copy(pos_hbm.at[pl.ds(base, CHUNK)], idx_v)
        pltpu.sync_copy(x_hbm.at[pl.ds(base, CHUNK)], rows_v)
        pltpu.async_copy(rows_v, xs_hbm.at[idx_v], sem).wait()

    @functools.partial(
        pl.kernel,
        out_type=jax.ShapeDtypeStruct((T, D), jnp.float32),
        mesh=mesh,
        scratch_types=[
            pltpu.VMEM((CHUNK,), jnp.int32),
            pltpu.VMEM((CHUNK, D), jnp.float32),
            pltpu.SemaphoreType.DMA,
        ],
    )
    def sc_gather(ys_hbm, pos_hbm, out_hbm, idx_v, rows_v, sem):
        wid = lax.axis_index("s") * 2 + lax.axis_index("c")
        base = wid * CHUNK
        pltpu.sync_copy(pos_hbm.at[pl.ds(base, CHUNK)], idx_v)
        pltpu.async_copy(ys_hbm.at[idx_v], rows_v, sem).wait()
        pltpu.sync_copy(rows_v, out_hbm.at[pl.ds(base, CHUNK)])

    return sc_scatter, sc_gather


def _sc_scatter(x, pos):
    return _sc_kernels()[0](x, pos)


def _sc_gather(ys, pos):
    return _sc_kernels()[1](ys, pos)


def _group_body(m_ref, xs_ref, wr_ref, wg_ref, wu_ref, wd_ref,
                sg_ref, su_ref, sd_ref, ys_ref):
    i = pl.program_id(0)

    @pl.when(i == 0)
    def _shared_init():
        sgw = sg_ref[...].astype(jnp.bfloat16)
        suw = su_ref[...].astype(jnp.bfloat16)
        sdw = sd_ref[...].astype(jnp.bfloat16)
        for b in range(NB):
            xb = xs_ref[b * BM:(b + 1) * BM, :].astype(jnp.bfloat16)
            sg = jnp.dot(xb, sgw, preferred_element_type=jnp.float32)
            su = jnp.dot(xb, suw, preferred_element_type=jnp.float32)
            ys_ref[b * BM:(b + 1) * BM, :] = jnp.dot(
                (_silu(sg) * su).astype(jnp.bfloat16), sdw,
                preferred_element_type=jnp.float32)

    @pl.when(i > 0)
    def _expert():
        e = i - 1
        lo = m_ref[2, e]
        hi = m_ref[3, e]
        wr = wr_ref[...]
        wg = wg_ref[0].astype(jnp.bfloat16)
        wu = wu_ref[0].astype(jnp.bfloat16)
        wd = wd_ref[0].astype(jnp.bfloat16)

        def tile(bj, carry):
            start = pl.multiple_of(bj * BM, BM)
            x = xs_ref[pl.ds(start, BM), :]
            logits = jnp.dot(x, wr, preferred_element_type=jnp.float32)
            ws = jax.nn.sigmoid(jnp.max(logits, axis=1))
            xb = x.astype(jnp.bfloat16)
            g = jnp.dot(xb, wg, preferred_element_type=jnp.float32)
            u = jnp.dot(xb, wu, preferred_element_type=jnp.float32)
            y = jnp.dot((_silu(g) * u).astype(jnp.bfloat16), wd,
                        preferred_element_type=jnp.float32)
            row = start + jax.lax.broadcasted_iota(jnp.int32, (BM, 1), 0)
            routed = jnp.where((row >= lo) & (row < hi), ws[:, None] * y, 0.0)
            ys_ref[pl.ds(start, BM), :] += routed
            return carry

        lax.fori_loop(m_ref[0, e], m_ref[1, e], tile, 0)


def _grouped(meta, xs, Wr, Wg, Wu, Wd, Sg, Su, Sd):
    grid_spec = pltpu.PrefetchScalarGridSpec(
        num_scalar_prefetch=1,
        grid=(E + 1,),
        in_specs=[
            pl.BlockSpec((T, D), lambda i, m: (0, 0)),
            pl.BlockSpec((D, E), lambda i, m: (0, 0)),
            pl.BlockSpec((1, D, F), lambda i, m: (jnp.maximum(i - 1, 0), 0, 0)),
            pl.BlockSpec((1, D, F), lambda i, m: (jnp.maximum(i - 1, 0), 0, 0)),
            pl.BlockSpec((1, F, D), lambda i, m: (jnp.maximum(i - 1, 0), 0, 0)),
            pl.BlockSpec((D, F), lambda i, m: (0, 0)),
            pl.BlockSpec((D, F), lambda i, m: (0, 0)),
            pl.BlockSpec((F, D), lambda i, m: (0, 0)),
        ],
        out_specs=pl.BlockSpec((T, D), lambda i, m: (0, 0)),
    )
    return pl.pallas_call(
        _group_body,
        grid_spec=grid_spec,
        out_shape=jax.ShapeDtypeStruct((T, D), jnp.float32),
    )(meta, xs, Wr, Wg, Wu, Wd, Sg, Su, Sd)


@jax.jit
def kernel(hidden_states, Wr, Wg, Wu, Wd, Sg, Su, Sd):
    pos, meta = _router(hidden_states, Wr)
    xs = _sc_scatter(hidden_states, pos)
    ys = _grouped(meta, xs, Wr, Wg, Wu, Wd, Sg, Su, Sd)
    return _sc_gather(ys, pos)

# --- scband reference (transcript-rebuilt; emitter-appended) ---
"""Pipeline reference for scband-llama4-decoder-layer-33913061769722 (READ-ONLY COPY).

The authoritative reference and input builder live on the scoring server;
editing this copy changes nothing except your own understanding.
"""

import jax, jax.numpy as jnp
import numpy as np

TOP_K = 1


def silu(x):
    return x * jax.nn.sigmoid(x)


def setup_inputs(seed: int = 0) -> dict:
    key = jax.random.key(seed)
    ks = jax.random.split(key, 9)
    T, D, F, E = 2048, 1024, 512, 8
    hidden_states = jax.random.normal(ks[0], (T, D), dtype=jnp.float32)
    Wr = jax.random.normal(ks[1], (D, E), dtype=jnp.float32) * 0.02
    Wg = jax.random.normal(ks[2], (E, D, F), dtype=jnp.float32) * 0.02
    Wu = jax.random.normal(ks[3], (E, D, F), dtype=jnp.float32) * 0.02
    Wd = jax.random.normal(ks[4], (E, F, D), dtype=jnp.float32) * 0.02
    Sg = jax.random.normal(ks[5], (D, F), dtype=jnp.float32) * 0.02
    Su = jax.random.normal(ks[6], (D, F), dtype=jnp.float32) * 0.02
    Sd = jax.random.normal(ks[7], (F, D), dtype=jnp.float32) * 0.02
    return {
        "hidden_states": hidden_states,
        "Wr": Wr,
        "Wg": Wg,
        "Wu": Wu,
        "Wd": Wd,
        "Sg": Sg,
        "Su": Su,
        "Sd": Sd,
    }


def reference(hidden_states, Wr, Wg, Wu, Wd, Sg, Su, Sd):
    # Llama4MoE.forward_normal:
    #   router_logits = router(x)
    #   shared_out = shared_expert(x)           (SiLU-gated MLP)
    #   routed_out = experts(x, router_logits)  with custom_routing_function:
    #       scores, idx = topk(router_logits, top_k); weights = sigmoid(scores)
    #       renormalize = False
    #   out = routed_out + shared_out
    T = hidden_states.shape[0]
    E = Wr.shape[1]
    router_logits = hidden_states @ Wr
    # custom_routing_function: topk then sigmoid (no renormalize)
    scores, idx = jax.lax.top_k(router_logits, TOP_K)
    weights = jax.nn.sigmoid(scores.astype(jnp.float32)).astype(hidden_states.dtype)
    # combine weights: (T, E), zeros except at selected experts
    combine = jnp.zeros((T, E), dtype=hidden_states.dtype)
    combine = combine.at[jnp.arange(T)[:, None], idx].set(weights)
    # routed experts: dense (all-expert) compute, then weighted combine
    g = jnp.einsum('td,edf->tef', hidden_states, Wg)
    u = jnp.einsum('td,edf->tef', hidden_states, Wu)
    a = silu(g) * u
    per_expert = jnp.einsum('tef,efd->ted', a, Wd)
    routed_out = jnp.einsum('ted,te->td', per_expert, combine)
    # shared expert: SiLU-gated MLP
    shared_out = (silu(hidden_states @ Sg) * (hidden_states @ Su)) @ Sd
    return routed_out + shared_out

if __name__ == "__main__":
    import jax
    _d = setup_inputs()
    print(jax.jit(kernel)(*tuple(_d.values())))

</pallas_src>

<mosaic_0001>
#map = affine_map<(d0, d1) -> (0, 0)>
#map1 = affine_map<(d0, d1) -> (0)>
module attributes {stable_mosaic.version = 14 : i64} {
  func.func @sc_scatter(%arg0: i32, %arg1: i32, %arg2: memref<2048x1024xf32, #tpu.memory_space<hbm>>, %arg3: memref<2048xi32, #tpu.memory_space<hbm>>, %arg4: memref<2048x1024xf32, #tpu.memory_space<hbm>>, %arg5: memref<64xi32, #tpu.memory_space<vmem>>, %arg6: memref<64x1024xf32, #tpu.memory_space<vmem>>, %arg7: memref<!tpu.dma_semaphore, #tpu.memory_space<semaphore_mem>>) attributes {dimension_semantics = [#tpu.dimension_semantics<core_parallel>, #tpu.dimension_semantics<subcore_parallel>], iteration_bounds = array<i64: 2, 16>, scalar_prefetch = 0 : i64, scratch_operands = 3 : i64, tpu.core_type = #tpu.core_type<sc_vector_subcore>, window_params = [{transform_indices = #map}, {transform_indices = #map1}, {transform_indices = #map}]} {
    %mul3A = arith.constant 2 : i32
    %mul3A_0 = arith.muli %arg1, %mul3A : i32
    %add3A = arith.addi %mul3A_0, %arg0 : i32
    %mul3A_1 = arith.constant 64 : i32
    %mul3A_2 = arith.muli %add3A, %mul3A_1 : i32
    "tpu.region"() ({
      %run_scoped3A = tpu.sem_alloc : memref<!tpu.dma_semaphore, #tpu.memory_space<semaphore_mem>>
      %dma_start3A_7 = tpu.memref_slice %arg3[%mul3A_2] : memref<2048xi32, #tpu.memory_space<hbm>> -> memref<64xi32, #tpu.memory_space<hbm>>
      %dma_start3A_8 = tpu.memref_slice %arg3[%mul3A_2] : memref<2048xi32, #tpu.memory_space<hbm>> -> memref<64xi32, #tpu.memory_space<hbm>>
      tpu.enqueue_dma source(%dma_start3A_8 : memref<64xi32, #tpu.memory_space<hbm>>) target(%arg5 : memref<64xi32, #tpu.memory_space<vmem>>) target_semaphore(%run_scoped3A : memref<!tpu.dma_semaphore, #tpu.memory_space<semaphore_mem>>)
      %dma_wait3A_9 = tpu.memref_slice %arg3[%mul3A_2] : memref<2048xi32, #tpu.memory_space<hbm>> -> memref<64xi32, #tpu.memory_space<hbm>>
      %dma_wait3A_10 = tpu.memref_slice %arg3[%mul3A_2] : memref<2048xi32, #tpu.memory_space<hbm>> -> memref<64xi32, #tpu.memory_space<hbm>>
      tpu.wait_dma2 semaphore(%run_scoped3A : memref<!tpu.dma_semaphore, #tpu.memory_space<semaphore_mem>>) src(%dma_wait3A_10 : memref<64xi32, #tpu.memory_space<hbm>>) dst(%arg5 : memref<64xi32, #tpu.memory_space<vmem>>)
      tpu.yield
    }) : () -> ()
    "tpu.region"() ({
      %run_scoped3A = tpu.sem_alloc : memref<!tpu.dma_semaphore, #tpu.memory_space<semaphore_mem>>
      %dma_start3A_7 = arith.constant 0 : i32
      %dma_start3A_8 = tpu.memref_slice %arg2[%mul3A_2, %dma_start3A_7] : memref<2048x1024xf32, #tpu.memory_space<hbm>> -> memref<64x1024xf32, #tpu.memory_space<hbm>>
      %dma_start3A_9 = arith.constant 0 : i32
      %dma_start3A_10 = tpu.memref_slice %arg2[%mul3A_2, %dma_start3A_9] : memref<2048x1024xf32, #tpu.memory_space<hbm>> -> memref<64x1024xf32, #tpu.memory_space<hbm>>
      tpu.enqueue_dma source(%dma_start3A_10 : memref<64x1024xf32, #tpu.memory_space<hbm>>) target(%arg6 : memref<64x1024xf32, #tpu.memory_space<vmem>>) target_semaphore(%run_scoped3A : memref<!tpu.dma_semaphore, #tpu.memory_space<semaphore_mem>>)
      %dma_wait3A_11 = arith.constant 0 : i32
      %dma_wait3A_12 = tpu.memref_slice %arg2[%mul3A_2, %dma_wait3A_11] : memref<2048x1024xf32, #tpu.memory_space<hbm>> -> memref<64x1024xf32, #tpu.memory_space<hbm>>
      %dma_wait3A_13 = arith.constant 0 : i32
      %dma_wait3A_14 = tpu.memref_slice %arg2[%mul3A_2, %dma_wait3A_13] : memref<2048x1024xf32, #tpu.memory_space<hbm>> -> memref<64x1024xf32, #tpu.memory_space<hbm>>
      tpu.wait_dma2 semaphore(%run_scoped3A : memref<!tpu.dma_semaphore, #tpu.memory_space<semaphore_mem>>) src(%dma_wait3A_14 : memref<64x1024xf32, #tpu.memory_space<hbm>>) dst(%arg6 : memref<64x1024xf32, #tpu.memory_space<vmem>>)
      tpu.yield
    }) : () -> ()
    %dma_start3A = arith.constant 0 : i32
    %dma_start3A_3 = arith.constant 0 : i32
    %dma_start3A_4 = tpu.memref_slice %arg4[%dma_start3A, %dma_start3A_3] : memref<2048x1024xf32, #tpu.memory_space<hbm>> -> memref<2048x1024xf32, #tpu.memory_space<hbm>>
    tpu.enqueue_indirect_dma source(%arg6 : memref<64x1024xf32, #tpu.memory_space<vmem>>) target(%dma_start3A_4 : memref<2048x1024xf32, #tpu.memory_space<hbm>>) offsets(%arg5 : memref<64xi32, #tpu.memory_space<vmem>>) semaphore(%arg7 : memref<!tpu.dma_semaphore, #tpu.memory_space<semaphore_mem>>)
    %dma_wait3A = arith.constant 0 : i32
    %dma_wait3A_5 = arith.constant 0 : i32
    %dma_wait3A_6 = tpu.memref_slice %arg4[%dma_wait3A, %dma_wait3A_5] : memref<2048x1024xf32, #tpu.memory_space<hbm>> -> memref<2048x1024xf32, #tpu.memory_space<hbm>>
    tpu.wait_indirect_dma semaphore(%arg7 : memref<!tpu.dma_semaphore, #tpu.memory_space<semaphore_mem>>) src(%arg6 : memref<64x1024xf32, #tpu.memory_space<vmem>>) dst(%dma_wait3A_6 : memref<2048x1024xf32, #tpu.memory_space<hbm>>)
    return
  }
}

#map = affine_map<(d0, d1) -> (0, 0)>
#map1 = affine_map<(d0, d1) -> (0)>
module attributes {stable_mosaic.version = 14 : i64} {
  func.func @sc_gather(%arg0: i32, %arg1: i32, %arg2: memref<2048x1024xf32, #tpu.memory_space<hbm>>, %arg3: memref<2048xi32, #tpu.memory_space<hbm>>, %arg4: memref<2048x1024xf32, #tpu.memory_space<hbm>>, %arg5: memref<64xi32, #tpu.memory_space<vmem>>, %arg6: memref<64x1024xf32, #tpu.memory_space<vmem>>, %arg7: memref<!tpu.dma_semaphore, #tpu.memory_space<semaphore_mem>>) attributes {dimension_semantics = [#tpu.dimension_semantics<core_parallel>, #tpu.dimension_semantics<subcore_parallel>], iteration_bounds = array<i64: 2, 16>, scalar_prefetch = 0 : i64, scratch_operands = 3 : i64, tpu.core_type = #tpu.core_type<sc_vector_subcore>, window_params = [{transform_indices = #map}, {transform_indices = #map1}, {transform_indices = #map}]} {
    %mul3A = arith.constant 2 : i32
    %mul3A_0 = arith.muli %arg1, %mul3A : i32
    %add3A = arith.addi %mul3A_0, %arg0 : i32
    %mul3A_1 = arith.constant 64 : i32
    %mul3A_2 = arith.muli %add3A, %mul3A_1 : i32
    "tpu.region"() ({
      %run_scoped3A = tpu.sem_alloc : memref<!tpu.dma_semaphore, #tpu.memory_space<semaphore_mem>>
      %dma_start3A_7 = tpu.memref_slice %arg3[%mul3A_2] : memref<2048xi32, #tpu.memory_space<hbm>> -> memref<64xi32, #tpu.memory_space<hbm>>
      %dma_start3A_8 = tpu.memref_slice %arg3[%mul3A_2] : memref<2048xi32, #tpu.memory_space<hbm>> -> memref<64xi32, #tpu.memory_space<hbm>>
      tpu.enqueue_dma source(%dma_start3A_8 : memref<64xi32, #tpu.memory_space<hbm>>) target(%arg5 : memref<64xi32, #tpu.memory_space<vmem>>) target_semaphore(%run_scoped3A : memref<!tpu.dma_semaphore, #tpu.memory_space<semaphore_mem>>)
      %dma_wait3A_9 = tpu.memref_slice %arg3[%mul3A_2] : memref<2048xi32, #tpu.memory_space<hbm>> -> memref<64xi32, #tpu.memory_space<hbm>>
      %dma_wait3A_10 = tpu.memref_slice %arg3[%mul3A_2] : memref<2048xi32, #tpu.memory_space<hbm>> -> memref<64xi32, #tpu.memory_space<hbm>>
      tpu.wait_dma2 semaphore(%run_scoped3A : memref<!tpu.dma_semaphore, #tpu.memory_space<semaphore_mem>>) src(%dma_wait3A_10 : memref<64xi32, #tpu.memory_space<hbm>>) dst(%arg5 : memref<64xi32, #tpu.memory_space<vmem>>)
      tpu.yield
    }) : () -> ()
    %dma_start3A = arith.constant 0 : i32
    %dma_start3A_3 = arith.constant 0 : i32
    %dma_start3A_4 = tpu.memref_slice %arg2[%dma_start3A, %dma_start3A_3] : memref<2048x1024xf32, #tpu.memory_space<hbm>> -> memref<2048x1024xf32, #tpu.memory_space<hbm>>
    tpu.enqueue_indirect_dma source(%dma_start3A_4 : memref<2048x1024xf32, #tpu.memory_space<hbm>>) target(%arg6 : memref<64x1024xf32, #tpu.memory_space<vmem>>) offsets(%arg5 : memref<64xi32, #tpu.memory_space<vmem>>) semaphore(%arg7 : memref<!tpu.dma_semaphore, #tpu.memory_space<semaphore_mem>>)
    %dma_wait3A = arith.constant 0 : i32
    %dma_wait3A_5 = arith.constant 0 : i32
    %dma_wait3A_6 = tpu.memref_slice %arg2[%dma_wait3A, %dma_wait3A_5] : memref<2048x1024xf32, #tpu.memory_space<hbm>> -> memref<2048x1024xf32, #tpu.memory_space<hbm>>
    tpu.wait_indirect_dma semaphore(%arg7 : memref<!tpu.dma_semaphore, #tpu.memory_space<semaphore_mem>>) src(%dma_wait3A_6 : memref<2048x1024xf32, #tpu.memory_space<hbm>>) dst(%arg6 : memref<64x1024xf32, #tpu.memory_space<vmem>>)
    "tpu.region"() ({
      %run_scoped3A = tpu.sem_alloc : memref<!tpu.dma_semaphore, #tpu.memory_space<semaphore_mem>>
      %dma_start3A_7 = arith.constant 0 : i32
      %dma_start3A_8 = tpu.memref_slice %arg4[%mul3A_2, %dma_start3A_7] : memref<2048x1024xf32, #tpu.memory_space<hbm>> -> memref<64x1024xf32, #tpu.memory_space<hbm>>
      %dma_start3A_9 = arith.constant 0 : i32
      %dma_start3A_10 = tpu.memref_slice %arg4[%mul3A_2, %dma_start3A_9] : memref<2048x1024xf32, #tpu.memory_space<hbm>> -> memref<64x1024xf32, #tpu.memory_space<hbm>>
      tpu.enqueue_dma source(%arg6 : memref<64x1024xf32, #tpu.memory_space<vmem>>) target(%dma_start3A_10 : memref<64x1024xf32, #tpu.memory_space<hbm>>) target_semaphore(%run_scoped3A : memref<!tpu.dma_semaphore, #tpu.memory_space<semaphore_mem>>)
      %dma_wait3A_11 = arith.constant 0 : i32
      %dma_wait3A_12 = tpu.memref_slice %arg4[%mul3A_2, %dma_wait3A_11] : memref<2048x1024xf32, #tpu.memory_space<hbm>> -> memref<64x1024xf32, #tpu.memory_space<hbm>>
      %dma_wait3A_13 = arith.constant 0 : i32
      %dma_wait3A_14 = tpu.memref_slice %arg4[%mul3A_2, %dma_wait3A_13] : memref<2048x1024xf32, #tpu.memory_space<hbm>> -> memref<64x1024xf32, #tpu.memory_space<hbm>>
      tpu.wait_dma2 semaphore(%run_scoped3A : memref<!tpu.dma_semaphore, #tpu.memory_space<semaphore_mem>>) src(%arg6 : memref<64x1024xf32, #tpu.memory_space<vmem>>) dst(%dma_wait3A_14 : memref<64x1024xf32, #tpu.memory_space<hbm>>)
      tpu.yield
    }) : () -> ()
    return
  }
}

module attributes {stable_mosaic.version = 14 : i64} {
  func.func @_router_body(%arg0: i32, %arg1: memref<2048x256xf32, #tpu.memory_space<vmem>>, %arg2: memref<256x8xf32, #tpu.memory_space<vmem>>, %arg3: memref<2048xi32, #tpu.memory_space<vmem>>, %arg4: memref<4x8xi32, #tpu.memory_space<vmem>>, %arg5: memref<2048x8xf32, #tpu.memory_space<vmem>>) attributes {dimension_semantics = [#tpu.dimension_semantics<arbitrary>], iteration_bounds = array<i64: 4>, scalar_prefetch = 0 : i64, scratch_operands = 1 : i64, tpu.core_type = #tpu.core_type<tc>, window_params = [{transform_indices = @transform_0, window_bounds = array<i64: 2048, 256>}, {transform_indices = @transform_1, window_bounds = array<i64: 256, 8>}, {pipeline_mode = #tpu.pipeline_mode<synchronous>, transform_indices = @transform_2, window_bounds = array<i64: 2048>}, {pipeline_mode = #tpu.pipeline_mode<synchronous>, transform_indices = @transform_3, window_bounds = array<i64: 4, 8>}]} {
    %get3A = arith.constant 0 : index
    %get3A_0 = arith.constant 0 : index
    %get3A_1 = vector.load %arg1[%get3A, %get3A_0] : memref<2048x256xf32, #tpu.memory_space<vmem>>, vector<2048x256xf32>
    %get3A_2 = arith.constant 0 : index
    %get3A_3 = arith.constant 0 : index
    %get3A_4 = vector.load %arg2[%get3A_2, %get3A_3] : memref<256x8xf32, #tpu.memory_space<vmem>>, vector<256x8xf32>
    %dot_general3A = arith.constant dense<0.000000e+00> : vector<2048x8xf32>
    %dot_general3A_5 = tpu.matmul %get3A_1, %get3A_4, %dot_general3A {dimension_numbers = #tpu.dot_dimension_numbers<[1], [0], [0], [1], [0, 0, 1, 1], [], []>, transpose_lhs_hint = false} : vector<2048x256xf32>, vector<256x8xf32>, vector<2048x8xf32> -> vector<2048x8xf32>
    %eq3A = arith.constant 0 : i32
    %eq3A_6 = arith.cmpi eq, %arg0, %eq3A : i32
    %convert_element_type3A = arith.extui %eq3A_6 : i1 to i32
    %cond3A = arith.constant 0 : i32
    %cond3A_7 = arith.cmpi ne, %convert_element_type3A, %cond3A : i32
    scf.if %cond3A_7 {
      %swap3A = arith.constant 0 : index
      %swap3A_17 = arith.constant 0 : index
      %swap3A_18 = vector.load %arg5[%swap3A, %swap3A_17] : memref<2048x8xf32, #tpu.memory_space<vmem>>, vector<2048x8xf32>
      tpu.vector_store %arg5[%swap3A, %swap3A_17], %dot_general3A_5 {strides = array<i32>} : memref<2048x8xf32, #tpu.memory_space<vmem>>, vector<2048x8xf32>,
    } else {
    }
    %gt3A = arith.constant 0 : i32
    %gt3A_8 = arith.cmpi sgt, %arg0, %gt3A : i32
    %convert_element_type3A_9 = arith.extui %gt3A_8 : i1 to i32
    %cond3A_10 = arith.constant 0 : i32
    %cond3A_11 = arith.cmpi ne, %convert_element_type3A_9, %cond3A_10 : i32
    scf.if %cond3A_11 {
      %get3A_17 = arith.constant 0 : index
      %get3A_18 = arith.constant 0 : index
      %get3A_19 = vector.load %arg5[%get3A_17, %get3A_18] : memref<2048x8xf32, #tpu.memory_space<vmem>>, vector<2048x8xf32>
      %add3A = arith.addf %get3A_19, %dot_general3A_5 : vector<2048x8xf32>
      %swap3A = arith.constant 0 : index
      %swap3A_20 = arith.constant 0 : index
      %swap3A_21 = vector.load %arg5[%swap3A, %swap3A_20] : memref<2048x8xf32, #tpu.memory_space<vmem>>, vector<2048x8xf32>
      tpu.vector_store %arg5[%swap3A, %swap3A_20], %add3A {strides = array<i32>} : memref<2048x8xf32, #tpu.memory_space<vmem>>, vector<2048x8xf32>,
    } else {
    }
    %eq3A_12 = arith.constant 3 : i32
    %eq3A_13 = arith.cmpi eq, %arg0, %eq3A_12 : i32
    %convert_element_type3A_14 = arith.extui %eq3A_13 : i1 to i32
    %cond3A_15 = arith.constant 0 : i32
    %cond3A_16 = arith.cmpi ne, %convert_element_type3A_14, %cond3A_15 : i32
    scf.if %cond3A_16 {
      %get3A_17 = arith.constant 0 : index
      %get3A_18 = arith.constant 0 : index
      %get3A_19 = vector.load %arg5[%get3A_17, %get3A_18] : memref<2048x8xf32, #tpu.memory_space<vmem>>, vector<2048x8xf32>
      %argmax3A = tpu.reduce_index %get3A_19 {axis = 1 : i32, kind = #tpu.reduction_kind<arg_max>} : vector<2048x8xf32> -> vector<2048xi32>
      %iota3A = tpu.iota {dimensions = array<i32: 0>} : vector<8x2048xi32>
      %broadcast_in_dim3A = vector.shape_cast %argmax3A : vector<2048xi32> to vector<1x2048xi32>
      %eq3A_20 = vector.broadcast %broadcast_in_dim3A : vector<1x2048xi32> to vector<8x2048xi32>
      %eq3A_21 = arith.cmpi eq, %iota3A, %eq3A_20 : vector<8x2048xi32>
      %convert_element_type3A_22 = arith.extui %eq3A_21 : vector<8x2048xi1> to vector<8x2048xi32>
      %broadcast_in_dim3A_23 = arith.constant 0 : i32
      %broadcast_in_dim3A_24 = vector.broadcast %broadcast_in_dim3A_23 : i32 to vector<8x1xi32>
      %slice3A = vector.extract_strided_slice %convert_element_type3A_22 {offsets = [0, 0], sizes = [8, 2047], strides = [1, 1]} : vector<8x2048xi32> to vector<8x2047xi32>
      %concatenate3A = tpu.concatenate %broadcast_in_dim3A_24, %slice3A in 1 : vector<8x1xi32>, vector<8x2047xi32> -> vector<8x2048xi32>
      %add3A = arith.addi %convert_element_type3A_22, %concatenate3A : vector<8x2048xi32>
      %broadcast_in_dim3A_25 = arith.constant 0 : i32
      %broadcast_in_dim3A_26 = vector.broadcast %broadcast_in_dim3A_25 : i32 to vector<8x2xi32>
      %slice3A_27 = vector.extract_strided_slice %add3A {offsets = [0, 0], sizes = [8, 2046], strides = [1, 1]} : vector<8x2048xi32> to vector<8x2046xi32>
      %concatenate3A_28 = tpu.concatenate %broadcast_in_dim3A_26, %slice3A_27 in 1 : vector<8x2xi32>, vector<8x2046xi32> -> vector<8x2048xi32>
      %add3A_29 = arith.addi %add3A, %concatenate3A_28 : vector<8x2048xi32>
      %broadcast_in_dim3A_30 = arith.constant 0 : i32
      %broadcast_in_dim3A_31 = vector.broadcast %broadcast_in_dim3A_30 : i32 to vector<8x4xi32>
      %slice3A_32 = vector.extract_strided_slice %add3A_29 {offsets = [0, 0], sizes = [8, 2044], strides = [1, 1]} : vector<8x2048xi32> to vector<8x2044xi32>
      %concatenate3A_33 = tpu.concatenate %broadcast_in_dim3A_31, %slice3A_32 in 1 : vector<8x4xi32>, vector<8x2044xi32> -> vector<8x2048xi32>
      %add3A_34 = arith.addi %add3A_29, %concatenate3A_33 : vector<8x2048xi32>
      %broadcast_in_dim3A_35 = arith.constant 0 : i32
      %broadcast_in_dim3A_36 = vector.broadcast %broadcast_in_dim3A_35 : i32 to vector<8x8xi32>
      %slice3A_37 = vector.extract_strided_slice %add3A_34 {offsets = [0, 0], sizes = [8, 2040], strides = [1, 1]} : vector<8x2048xi32> to vector<8x2040xi32>
      %concatenate3A_38 = tpu.concatenate %broadcast_in_dim3A_36, %slice3A_37 in 1 : vector<8x8xi32>, vector<8x2040xi32> -> vector<8x2048xi32>
      %add3A_39 = arith.addi %add3A_34, %concatenate3A_38 : vector<8x2048xi32>
      %broadcast_in_dim3A_40 = arith.constant 0 : i32
      %broadcast_in_dim3A_41 = vector.broadcast %broadcast_in_dim3A_40 : i32 to vector<8x16xi32>
      %slice3A_42 = vector.extract_strided_slice %add3A_39 {offsets = [0, 0], sizes = [8, 2032], strides = [1, 1]} : vector<8x2048xi32> to vector<8x2032xi32>
      %concatenate3A_43 = tpu.concatenate %broadcast_in_dim3A_41, %slice3A_42 in 1 : vector<8x16xi32>, vector<8x2032xi32> -> vector<8x2048xi32>
      %add3A_44 = arith.addi %add3A_39, %concatenate3A_43 : vector<8x2048xi32>
      %broadcast_in_dim3A_45 = arith.constant 0 : i32
      %broadcast_in_dim3A_46 = vector.broadcast %broadcast_in_dim3A_45 : i32 to vector<8x32xi32>
      %slice3A_47 = vector.extract_strided_slice %add3A_44 {offsets = [0, 0], sizes = [8, 2016], strides = [1, 1]} : vector<8x2048xi32> to vector<8x2016xi32>
      %concatenate3A_48 = tpu.concatenate %broadcast_in_dim3A_46, %slice3A_47 in 1 : vector<8x32xi32>, vector<8x2016xi32> -> vector<8x2048xi32>
      %add3A_49 = arith.addi %add3A_44, %concatenate3A_48 : vector<8x2048xi32>
      %broadcast_in_dim3A_50 = arith.constant 0 : i32
      %broadcast_in_dim3A_51 = vector.broadcast %broadcast_in_dim3A_50 : i32 to vector<8x64xi32>
      %slice3A_52 = vector.extract_strided_slice %add3A_49 {offsets = [0, 0], sizes = [8, 1984], strides = [1, 1]} : vector<8x2048xi32> to vector<8x1984xi32>
      %concatenate3A_53 = tpu.concatenate %broadcast_in_dim3A_51, %slice3A_52 in 1 : vector<8x64xi32>, vector<8x1984xi32> -> vector<8x2048xi32>
      %add3A_54 = arith.addi %add3A_49, %concatenate3A_53 : vector<8x2048xi32>
      %broadcast_in_dim3A_55 = arith.constant 0 : i32
      %broadcast_in_dim3A_56 = vector.broadcast %broadcast_in_dim3A_55 : i32 to vector<8x128xi32>
      %slice3A_57 = vector.extract_strided_slice %add3A_54 {offsets = [0, 0], sizes = [8, 1920], strides = [1, 1]} : vector<8x2048xi32> to vector<8x1920xi32>
      %concatenate3A_58 = tpu.concatenate %broadcast_in_dim3A_56, %slice3A_57 in 1 : vector<8x128xi32>, vector<8x1920xi32> -> vector<8x2048xi32>
      %add3A_59 = arith.addi %add3A_54, %concatenate3A_58 : vector<8x2048xi32>
      %broadcast_in_dim3A_60 = arith.constant 0 : i32
      %broadcast_in_dim3A_61 = vector.broadcast %broadcast_in_dim3A_60 : i32 to vector<8x256xi32>
      %slice3A_62 = vector.extract_strided_slice %add3A_59 {offsets = [0, 0], sizes = [8, 1792], strides = [1, 1]} : vector<8x2048xi32> to vector<8x1792xi32>
      %concatenate3A_63 = tpu.concatenate %broadcast_in_dim3A_61, %slice3A_62 in 1 : vector<8x256xi32>, vector<8x1792xi32> -> vector<8x2048xi32>
      %add3A_64 = arith.addi %add3A_59, %concatenate3A_63 : vector<8x2048xi32>
      %broadcast_in_dim3A_65 = arith.constant 0 : i32
      %broadcast_in_dim3A_66 = vector.broadcast %broadcast_in_dim3A_65 : i32 to vector<8x512xi32>
      %slice3A_67 = vector.extract_strided_slice %add3A_64 {offsets = [0, 0], sizes = [8, 1536], strides = [1, 1]} : vector<8x2048xi32> to vector<8x1536xi32>
      %concatenate3A_68 = tpu.concatenate %broadcast_in_dim3A_66, %slice3A_67 in 1 : vector<8x512xi32>, vector<8x1536xi32> -> vector<8x2048xi32>
      %add3A_69 = arith.addi %add3A_64, %concatenate3A_68 : vector<8x2048xi32>
      %broadcast_in_dim3A_70 = arith.constant 0 : i32
      %broadcast_in_dim3A_71 = vector.broadcast %broadcast_in_dim3A_70 : i32 to vector<8x1024xi32>
      %slice3A_72 = vector.extract_strided_slice %add3A_69 {offsets = [0, 0], sizes = [8, 1024], strides = [1, 1]} : vector<8x2048xi32> to vector<8x1024xi32>
      %concatenate3A_73 = tpu.concatenate %broadcast_in_dim3A_71, %slice3A_72 in 1 : vector<8x1024xi32>, vector<8x1024xi32> -> vector<8x2048xi32>
      %add3A_74 = arith.addi %add3A_69, %concatenate3A_73 : vector<8x2048xi32>
      %slice3A_75 = vector.extract_strided_slice %add3A_74 {offsets = [0, 2047], sizes = [8, 1], strides = [1, 1]} : vector<8x2048xi32> to vector<8x1xi32>
      %squeeze3A = vector.shape_cast %slice3A_75 : vector<8x1xi32> to vector<8xi32>
      %iota3A_76 = tpu.iota {dimensions = array<i32: 0>} : vector<8x8xi32>
      %iota3A_77 = tpu.iota {dimensions = array<i32: 1>} : vector<8x8xi32>
      %lt3A = arith.cmpi slt, %iota3A_76, %iota3A_77 : vector<8x8xi32>
      %broadcast_in_dim3A_78 = vector.shape_cast %squeeze3A : vector<8xi32> to vector<8x1xi32>
      %jit3A = arith.constant 0 : i32
      %broadcast_in_dim3A_79 = vector.shape_cast %broadcast_in_dim3A_78 : vector<8x1xi32> to vector<8x1xi32>
      %broadcast_in_dim3A_80 = vector.broadcast %broadcast_in_dim3A_79 : vector<8x1xi32> to vector<8x8xi32>
      %broadcast_in_dim3A_81 = vector.broadcast %jit3A : i32 to vector<8x8xi32>
      %select_n3A = arith.select %lt3A, %broadcast_in_dim3A_80, %broadcast_in_dim3A_81 : vector<8x8xi1>, vector<8x8xi32>
      %reduce_sum3A = arith.constant dense<0> : vector<8xi32>
      %reduce_sum3A_82 = vector.multi_reduction <add>, %select_n3A, %reduce_sum3A [0] : vector<8x8xi32> to vector<8xi32>
      %add3A_83 = arith.addi %reduce_sum3A_82, %squeeze3A : vector<8xi32>
      %eq3A_84 = arith.constant 1 : i32
      %eq3A_85 = vector.broadcast %eq3A_84 : i32 to vector<8x2048xi32>
      %eq3A_86 = arith.cmpi eq, %convert_element_type3A_22, %eq3A_85 : vector<8x2048xi32>
      %sub3A = arith.constant 1 : i32
      %sub3A_87 = vector.broadcast %sub3A : i32 to vector<8x2048xi32>
      %sub3A_88 = arith.subi %add3A_74, %sub3A_87 : vector<8x2048xi32>
      %jit3A_89 = arith.constant 0 : i32
      %broadcast_in_dim3A_90 = vector.broadcast %jit3A_89 : i32 to vector<8x2048xi32>
      %select_n3A_91 = arith.select %eq3A_86, %sub3A_88, %broadcast_in_dim3A_90 : vector<8x2048xi1>, vector<8x2048xi32>
      %reduce_sum3A_92 = arith.constant dense<0> : vector<2048xi32>
      %reduce_sum3A_93 = vector.multi_reduction <add>, %select_n3A_91, %reduce_sum3A_92 [0] : vector<8x2048xi32> to vector<2048xi32>
      %eq3A_94 = arith.constant 1 : i32
      %eq3A_95 = vector.broadcast %eq3A_94 : i32 to vector<8x2048xi32>
      %eq3A_96 = arith.cmpi eq, %convert_element_type3A_22, %eq3A_95 : vector<8x2048xi32>
      %broadcast_in_dim3A_97 = vector.shape_cast %reduce_sum3A_82 : vector<8xi32> to vector<8x1xi32>
      %jit3A_98 = arith.constant 0 : i32
      %broadcast_in_dim3A_99 = vector.shape_cast %broadcast_in_dim3A_97 : vector<8x1xi32> to vector<8x1xi32>
      %broadcast_in_dim3A_100 = vector.broadcast %broadcast_in_dim3A_99 : vector<8x1xi32> to vector<8x2048xi32>
      %broadcast_in_dim3A_101 = vector.broadcast %jit3A_98 : i32 to vector<8x2048xi32>
      %select_n3A_102 = arith.select %eq3A_96, %broadcast_in_dim3A_100, %broadcast_in_dim3A_101 : vector<8x2048xi1>, vector<8x2048xi32>
      %reduce_sum3A_103 = arith.constant dense<0> : vector<2048xi32>
      %reduce_sum3A_104 = vector.multi_reduction <add>, %select_n3A_102, %reduce_sum3A_103 [0] : vector<8x2048xi32> to vector<2048xi32>
      %add3A_105 = arith.addi %reduce_sum3A_93, %reduce_sum3A_104 : vector<2048xi32>
      %swap3A = arith.constant 0 : index
      %swap3A_106 = vector.load %arg3[%swap3A] : memref<2048xi32, #tpu.memory_space<vmem>>, vector<2048xi32>
      tpu.vector_store %arg3[%swap3A], %add3A_105 {strides = array<i32>} : memref<2048xi32, #tpu.memory_space<vmem>>, vector<2048xi32>,
      %gt3A_107 = arith.constant 0 : i32
      %gt3A_108 = vector.broadcast %gt3A_107 : i32 to vector<8xi32>
      %gt3A_109 = arith.cmpi sgt, %squeeze3A, %gt3A_108 : vector<8xi32>
      %shift_right_arithmetic3A = arith.constant 8 : i32
      %shift_right_arithmetic3A_110 = vector.broadcast %shift_right_arithmetic3A : i32 to vector<8xi32>
      %shift_right_arithmetic3A_111 = arith.shrsi %reduce_sum3A_82, %shift_right_arithmetic3A_110 : vector<8xi32>
      %jit3A_112 = arith.constant 0 : i32
      %broadcast_in_dim3A_113 = vector.broadcast %jit3A_112 : i32 to vector<8xi32>
      %select_n3A_114 = arith.select %gt3A_109, %shift_right_arithmetic3A_111, %broadcast_in_dim3A_113 : vector<8xi1>, vector<8xi32>
      %add3A_115 = arith.constant 255 : i32
      %add3A_116 = vector.broadcast %add3A_115 : i32 to vector<8xi32>
      %add3A_117 = arith.addi %add3A_83, %add3A_116 : vector<8xi32>
      %shift_right_arithmetic3A_118 = arith.constant 8 : i32
      %shift_right_arithmetic3A_119 = vector.broadcast %shift_right_arithmetic3A_118 : i32 to vector<8xi32>
      %shift_right_arithmetic3A_120 = arith.shrsi %add3A_117, %shift_right_arithmetic3A_119 : vector<8xi32>
      %jit3A_121 = arith.constant 0 : i32
      %broadcast_in_dim3A_122 = vector.broadcast %jit3A_121 : i32 to vector<8xi32>
      %select_n3A_123 = arith.select %gt3A_109, %shift_right_arithmetic3A_120, %broadcast_in_dim3A_122 : vector<8xi1>, vector<8xi32>
      %broadcast_in_dim3A_124 = vector.shape_cast %select_n3A_114 : vector<8xi32> to vector<1x8xi32>
      %broadcast_in_dim3A_125 = vector.shape_cast %select_n3A_123 : vector<8xi32> to vector<1x8xi32>
      %broadcast_in_dim3A_126 = vector.shape_cast %reduce_sum3A_82 : vector<8xi32> to vector<1x8xi32>
      %broadcast_in_dim3A_127 = vector.shape_cast %add3A_83 : vector<8xi32> to vector<1x8xi32>
      %concatenate3A_128 = tpu.concatenate %broadcast_in_dim3A_124, %broadcast_in_dim3A_125, %broadcast_in_dim3A_126, %broadcast_in_dim3A_127 in 0 : vector<1x8xi32>, vector<1x8xi32>, vector<1x8xi32>, vector<1x8xi32> -> vector<4x8xi32>
      %swap3A_129 = arith.constant 0 : index
      %swap3A_130 = arith.constant 0 : index
      %swap3A_131 = vector.load %arg4[%swap3A_129, %swap3A_130] : memref<4x8xi32, #tpu.memory_space<vmem>>, vector<4x8xi32>
      tpu.vector_store %arg4[%swap3A_129, %swap3A_130], %concatenate3A_128 {strides = array<i32>} : memref<4x8xi32, #tpu.memory_space<vmem>>, vector<4x8xi32>,
    } else {
    }
    return
  }
  func.func @transform_0(%arg0: i32) -> (i32, i32) {
    %c0_i32 = arith.constant 0 : i32
    %c0_i32_0 = arith.constant 0 : i32
    return %c0_i32, %arg0 : i32, i32
  }
  func.func @transform_1(%arg0: i32) -> (i32, i32) {
    %c0_i32 = arith.constant 0 : i32
    %c0_i32_0 = arith.constant 0 : i32
    return %arg0, %c0_i32 : i32, i32
  }
  func.func @transform_2(%arg0: i32) -> i32 {
    %c0_i32 = arith.constant 0 : i32
    %c0_i32_0 = arith.constant 0 : i32
    return %c0_i32 : i32
  }
  func.func @transform_3(%arg0: i32) -> (i32, i32) {
    %c0_i32 = arith.constant 0 : i32
    %c0_i32_0 = arith.constant 0 : i32
    %c0_i32_1 = arith.constant 0 : i32
    return %c0_i32, %c0_i32_0 : i32, i32
  }
}

module attributes {stable_mosaic.version = 14 : i64} {
  func.func @_group_body(%arg0: i32, %arg1: memref<4x8xi32, #tpu.memory_space<smem>>, %arg2: memref<2048x1024xf32, #tpu.memory_space<vmem>>, %arg3: memref<1024x8xf32, #tpu.memory_space<vmem>>, %arg4: memref<1x1024x512xf32, #tpu.memory_space<vmem>>, %arg5: memref<1x1024x512xf32, #tpu.memory_space<vmem>>, %arg6: memref<1x512x1024xf32, #tpu.memory_space<vmem>>, %arg7: memref<1024x512xf32, #tpu.memory_space<vmem>>, %arg8: memref<1024x512xf32, #tpu.memory_space<vmem>>, %arg9: memref<512x1024xf32, #tpu.memory_space<vmem>>, %arg10: memref<2048x1024xf32, #tpu.memory_space<vmem>>) attributes {dimension_semantics = [#tpu.dimension_semantics<arbitrary>], iteration_bounds = array<i64: 9>, scalar_prefetch = 1 : i64, scratch_operands = 0 : i64, tpu.core_type = #tpu.core_type<tc>, window_params = [{pipeline_mode = #tpu.pipeline_mode<synchronous>, transform_indices = @transform_0, window_bounds = array<i64: 2048, 1024>}, {pipeline_mode = #tpu.pipeline_mode<synchronous>, transform_indices = @transform_1, window_bounds = array<i64: 1024, 8>}, {transform_indices = @transform_2, window_bounds = array<i64: 1, 1024, 512>}, {transform_indices = @transform_3, window_bounds = array<i64: 1, 1024, 512>}, {transform_indices = @transform_4, window_bounds = array<i64: 1, 512, 1024>}, {pipeline_mode = #tpu.pipeline_mode<synchronous>, transform_indices = @transform_5, window_bounds = array<i64: 1024, 512>}, {pipeline_mode = #tpu.pipeline_mode<synchronous>, transform_indices = @transform_6, window_bounds = array<i64: 1024, 512>}, {pipeline_mode = #tpu.pipeline_mode<synchronous>, transform_indices = @transform_7, window_bounds = array<i64: 512, 1024>}, {pipeline_mode = #tpu.pipeline_mode<synchronous>, transform_indices = @transform_8, window_bounds = array<i64: 2048, 1024>}]} {
    %eq3A = arith.constant 0 : i32
    %eq3A_0 = arith.cmpi eq, %arg0, %eq3A : i32
    %convert_element_type3A = arith.extui %eq3A_0 : i1 to i32
    %cond3A = arith.constant 0 : i32
    %cond3A_1 = arith.cmpi ne, %convert_element_type3A, %cond3A : i32
    scf.if %cond3A_1 {
      %get3A = arith.constant 0 : index
      %get3A_6 = arith.constant 0 : index
      %get3A_7 = vector.load %arg7[%get3A, %get3A_6] : memref<1024x512xf32, #tpu.memory_space<vmem>>, vector<1024x512xf32>
      %convert_element_type3A_8 = arith.truncf %get3A_7 : vector<1024x512xf32> to vector<1024x512xbf16>
      %get3A_9 = arith.constant 0 : index
      %get3A_10 = arith.constant 0 : index
      %get3A_11 = vector.load %arg8[%get3A_9, %get3A_10] : memref<1024x512xf32, #tpu.memory_space<vmem>>, vector<1024x512xf32>
      %convert_element_type3A_12 = arith.truncf %get3A_11 : vector<1024x512xf32> to vector<1024x512xbf16>
      %get3A_13 = arith.constant 0 : index
      %get3A_14 = arith.constant 0 : index
      %get3A_15 = vector.load %arg9[%get3A_13, %get3A_14] : memref<512x1024xf32, #tpu.memory_space<vmem>>, vector<512x1024xf32>
      %convert_element_type3A_16 = arith.truncf %get3A_15 : vector<512x1024xf32> to vector<512x1024xbf16>
      %get3A_17 = arith.constant 0 : index
      %get3A_18 = arith.constant 0 : index
      %get3A_19 = vector.load %arg2[%get3A_17, %get3A_18] : memref<2048x1024xf32, #tpu.memory_space<vmem>>, vector<256x1024xf32>
      %convert_element_type3A_20 = arith.truncf %get3A_19 : vector<256x1024xf32> to vector<256x1024xbf16>
      %dot_general3A = arith.constant dense<0.000000e+00> : vector<256x512xf32>
      %dot_general3A_21 = tpu.matmul %convert_element_type3A_20, %convert_element_type3A_8, %dot_general3A {dimension_numbers = #tpu.dot_dimension_numbers<[1], [0], [0], [1], [0, 0, 1, 1], [], []>, transpose_lhs_hint = false} : vector<256x1024xbf16>, vector<1024x512xbf16>, vector<256x512xf32> -> vector<256x512xf32>
      %dot_general3A_22 = arith.constant dense<0.000000e+00> : vector<256x512xf32>
      %dot_general3A_23 = tpu.matmul %convert_element_type3A_20, %convert_element_type3A_12, %dot_general3A_22 {dimension_numbers = #tpu.dot_dimension_numbers<[1], [0], [0], [1], [0, 0, 1, 1], [], []>, transpose_lhs_hint = false} : vector<256x1024xbf16>, vector<1024x512xbf16>, vector<256x512xf32> -> vector<256x512xf32>
      %logistic3A = arith.negf %dot_general3A_21 : vector<256x512xf32>
      %logistic3A_24 = math.exp %logistic3A : vector<256x512xf32>
      %logistic3A_25 = arith.constant 1.000000e+00 : f32
      %logistic3A_26 = vector.broadcast %logistic3A_25 : f32 to vector<256x512xf32>
      %logistic3A_27 = arith.addf %logistic3A_26, %logistic3A_24 : vector<256x512xf32>
      %logistic3A_28 = arith.divf %logistic3A_26, %logistic3A_27 : vector<256x512xf32>
      %mul3A = arith.mulf %dot_general3A_21, %logistic3A_28 : vector<256x512xf32>
      %mul3A_29 = arith.mulf %mul3A, %dot_general3A_23 : vector<256x512xf32>
      %convert_element_type3A_30 = arith.truncf %mul3A_29 : vector<256x512xf32> to vector<256x512xbf16>
      %dot_general3A_31 = arith.constant dense<0.000000e+00> : vector<256x1024xf32>
      %dot_general3A_32 = tpu.matmul %convert_element_type3A_30, %convert_element_type3A_16, %dot_general3A_31 {dimension_numbers = #tpu.dot_dimension_numbers<[1], [0], [0], [1], [0, 0, 1, 1], [], []>, transpose_lhs_hint = false} : vector<256x512xbf16>, vector<512x1024xbf16>, vector<256x1024xf32> -> vector<256x1024xf32>
      %swap3A = arith.constant 0 : index
      %swap3A_33 = arith.constant 0 : index
      %swap3A_34 = vector.load %arg10[%swap3A, %swap3A_33] : memref<2048x1024xf32, #tpu.memory_space<vmem>>, vector<256x1024xf32>
      tpu.vector_store %arg10[%swap3A, %swap3A_33], %dot_general3A_32 {strides = array<i32>} : memref<2048x1024xf32, #tpu.memory_space<vmem>>, vector<256x1024xf32>,
      %get3A_35 = arith.constant 256 : index
      %get3A_36 = arith.constant 0 : index
      %get3A_37 = vector.load %arg2[%get3A_35, %get3A_36] : memref<2048x1024xf32, #tpu.memory_space<vmem>>, vector<256x1024xf32>
      %convert_element_type3A_38 = arith.truncf %get3A_37 : vector<256x1024xf32> to vector<256x1024xbf16>
      %dot_general3A_39 = arith.constant dense<0.000000e+00> : vector<256x512xf32>
      %dot_general3A_40 = tpu.matmul %convert_element_type3A_38, %convert_element_type3A_8, %dot_general3A_39 {dimension_numbers = #tpu.dot_dimension_numbers<[1], [0], [0], [1], [0, 0, 1, 1], [], []>, transpose_lhs_hint = false} : vector<256x1024xbf16>, vector<1024x512xbf16>, vector<256x512xf32> -> vector<256x512xf32>
      %dot_general3A_41 = arith.constant dense<0.000000e+00> : vector<256x512xf32>
      %dot_general3A_42 = tpu.matmul %convert_element_type3A_38, %convert_element_type3A_12, %dot_general3A_41 {dimension_numbers = #tpu.dot_dimension_numbers<[1], [0], [0], [1], [0, 0, 1, 1], [], []>, transpose_lhs_hint = false} : vector<256x1024xbf16>, vector<1024x512xbf16>, vector<256x512xf32> -> vector<256x512xf32>
      %logistic3A_43 = arith.negf %dot_general3A_40 : vector<256x512xf32>
      %logistic3A_44 = math.exp %logistic3A_43 : vector<256x512xf32>
      %logistic3A_45 = arith.constant 1.000000e+00 : f32
      %logistic3A_46 = vector.broadcast %logistic3A_45 : f32 to vector<256x512xf32>
      %logistic3A_47 = arith.addf %logistic3A_46, %logistic3A_44 : vector<256x512xf32>
      %logistic3A_48 = arith.divf %logistic3A_46, %logistic3A_47 : vector<256x512xf32>
      %mul3A_49 = arith.mulf %dot_general3A_40, %logistic3A_48 : vector<256x512xf32>
      %mul3A_50 = arith.mulf %mul3A_49, %dot_general3A_42 : vector<256x512xf32>
      %convert_element_type3A_51 = arith.truncf %mul3A_50 : vector<256x512xf32> to vector<256x512xbf16>
      %dot_general3A_52 = arith.constant dense<0.000000e+00> : vector<256x1024xf32>
      %dot_general3A_53 = tpu.matmul %convert_element_type3A_51, %convert_element_type3A_16, %dot_general3A_52 {dimension_numbers = #tpu.dot_dimension_numbers<[1], [0], [0], [1], [0, 0, 1, 1], [], []>, transpose_lhs_hint = false} : vector<256x512xbf16>, vector<512x1024xbf16>, vector<256x1024xf32> -> vector<256x1024xf32>
      %swap3A_54 = arith.constant 256 : index
      %swap3A_55 = arith.constant 0 : index
      %swap3A_56 = vector.load %arg10[%swap3A_54, %swap3A_55] : memref<2048x1024xf32, #tpu.memory_space<vmem>>, vector<256x1024xf32>
      tpu.vector_store %arg10[%swap3A_54, %swap3A_55], %dot_general3A_53 {strides = array<i32>} : memref<2048x1024xf32, #tpu.memory_space<vmem>>, vector<256x1024xf32>,
      %get3A_57 = arith.constant 512 : index
      %get3A_58 = arith.constant 0 : index
      %get3A_59 = vector.load %arg2[%get3A_57, %get3A_58] : memref<2048x1024xf32, #tpu.memory_space<vmem>>, vector<256x1024xf32>
      %convert_element_type3A_60 = arith.truncf %get3A_59 : vector<256x1024xf32> to vector<256x1024xbf16>
      %dot_general3A_61 = arith.constant dense<0.000000e+00> : vector<256x512xf32>
      %dot_general3A_62 = tpu.matmul %convert_element_type3A_60, %convert_element_type3A_8, %dot_general3A_61 {dimension_numbers = #tpu.dot_dimension_numbers<[1], [0], [0], [1], [0, 0, 1, 1], [], []>, transpose_lhs_hint = false} : vector<256x1024xbf16>, vector<1024x512xbf16>, vector<256x512xf32> -> vector<256x512xf32>
      %dot_general3A_63 = arith.constant dense<0.000000e+00> : vector<256x512xf32>
      %dot_general3A_64 = tpu.matmul %convert_element_type3A_60, %convert_element_type3A_12, %dot_general3A_63 {dimension_numbers = #tpu.dot_dimension_numbers<[1], [0], [0], [1], [0, 0, 1, 1], [], []>, transpose_lhs_hint = false} : vector<256x1024xbf16>, vector<1024x512xbf16>, vector<256x512xf32> -> vector<256x512xf32>
      %logistic3A_65 = arith.negf %dot_general3A_62 : vector<256x512xf32>
      %logistic3A_66 = math.exp %logistic3A_65 : vector<256x512xf32>
      %logistic3A_67 = arith.constant 1.000000e+00 : f32
      %logistic3A_68 = vector.broadcast %logistic3A_67 : f32 to vector<256x512xf32>
      %logistic3A_69 = arith.addf %logistic3A_68, %logistic3A_66 : vector<256x512xf32>
      %logistic3A_70 = arith.divf %logistic3A_68, %logistic3A_69 : vector<256x512xf32>
      %mul3A_71 = arith.mulf %dot_general3A_62, %logistic3A_70 : vector<256x512xf32>
      %mul3A_72 = arith.mulf %mul3A_71, %dot_general3A_64 : vector<256x512xf32>
      %convert_element_type3A_73 = arith.truncf %mul3A_72 : vector<256x512xf32> to vector<256x512xbf16>
      %dot_general3A_74 = arith.constant dense<0.000000e+00> : vector<256x1024xf32>
      %dot_general3A_75 = tpu.matmul %convert_element_type3A_73, %convert_element_type3A_16, %dot_general3A_74 {dimension_numbers = #tpu.dot_dimension_numbers<[1], [0], [0], [1], [0, 0, 1, 1], [], []>, transpose_lhs_hint = false} : vector<256x512xbf16>, vector<512x1024xbf16>, vector<256x1024xf32> -> vector<256x1024xf32>
      %swap3A_76 = arith.constant 512 : index
      %swap3A_77 = arith.constant 0 : index
      %swap3A_78 = vector.load %arg10[%swap3A_76, %swap3A_77] : memref<2048x1024xf32, #tpu.memory_space<vmem>>, vector<256x1024xf32>
      tpu.vector_store %arg10[%swap3A_76, %swap3A_77], %dot_general3A_75 {strides = array<i32>} : memref<2048x1024xf32, #tpu.memory_space<vmem>>, vector<256x1024xf32>,
      %get3A_79 = arith.constant 768 : index
      %get3A_80 = arith.constant 0 : index
      %get3A_81 = vector.load %arg2[%get3A_79, %get3A_80] : memref<2048x1024xf32, #tpu.memory_space<vmem>>, vector<256x1024xf32>
      %convert_element_type3A_82 = arith.truncf %get3A_81 : vector<256x1024xf32> to vector<256x1024xbf16>
      %dot_general3A_83 = arith.constant dense<0.000000e+00> : vector<256x512xf32>
      %dot_general3A_84 = tpu.matmul %convert_element_type3A_82, %convert_element_type3A_8, %dot_general3A_83 {dimension_numbers = #tpu.dot_dimension_numbers<[1], [0], [0], [1], [0, 0, 1, 1], [], []>, transpose_lhs_hint = false} : vector<256x1024xbf16>, vector<1024x512xbf16>, vector<256x512xf32> -> vector<256x512xf32>
      %dot_general3A_85 = arith.constant dense<0.000000e+00> : vector<256x512xf32>
      %dot_general3A_86 = tpu.matmul %convert_element_type3A_82, %convert_element_type3A_12, %dot_general3A_85 {dimension_numbers = #tpu.dot_dimension_numbers<[1], [0], [0], [1], [0, 0, 1, 1], [], []>, transpose_lhs_hint = false} : vector<256x1024xbf16>, vector<1024x512xbf16>, vector<256x512xf32> -> vector<256x512xf32>
      %logistic3A_87 = arith.negf %dot_general3A_84 : vector<256x512xf32>
      %logistic3A_88 = math.exp %logistic3A_87 : vector<256x512xf32>
      %logistic3A_89 = arith.constant 1.000000e+00 : f32
      %logistic3A_90 = vector.broadcast %logistic3A_89 : f32 to vector<256x512xf32>
      %logistic3A_91 = arith.addf %logistic3A_90, %logistic3A_88 : vector<256x512xf32>
      %logistic3A_92 = arith.divf %logistic3A_90, %logistic3A_91 : vector<256x512xf32>
      %mul3A_93 = arith.mulf %dot_general3A_84, %logistic3A_92 : vector<256x512xf32>
      %mul3A_94 = arith.mulf %mul3A_93, %dot_general3A_86 : vector<256x512xf32>
      %convert_element_type3A_95 = arith.truncf %mul3A_94 : vector<256x512xf32> to vector<256x512xbf16>
      %dot_general3A_96 = arith.constant dense<0.000000e+00> : vector<256x1024xf32>
      %dot_general3A_97 = tpu.matmul %convert_element_type3A_95, %convert_element_type3A_16, %dot_general3A_96 {dimension_numbers = #tpu.dot_dimension_numbers<[1], [0], [0], [1], [0, 0, 1, 1], [], []>, transpose_lhs_hint = false} : vector<256x512xbf16>, vector<512x1024xbf16>, vector<256x1024xf32> -> vector<256x1024xf32>
      %swap3A_98 = arith.constant 768 : index
      %swap3A_99 = arith.constant 0 : index
      %swap3A_100 = vector.load %arg10[%swap3A_98, %swap3A_99] : memref<2048x1024xf32, #tpu.memory_space<vmem>>, vector<256x1024xf32>
      tpu.vector_store %arg10[%swap3A_98, %swap3A_99], %dot_general3A_97 {strides = array<i32>} : memref<2048x1024xf32, #tpu.memory_space<vmem>>, vector<256x1024xf32>,
      %get3A_101 = arith.constant 1024 : index
      %get3A_102 = arith.constant 0 : index
      %get3A_103 = vector.load %arg2[%get3A_101, %get3A_102] : memref<2048x1024xf32, #tpu.memory_space<vmem>>, vector<256x1024xf32>
      %convert_element_type3A_104 = arith.truncf %get3A_103 : vector<256x1024xf32> to vector<256x1024xbf16>
      %dot_general3A_105 = arith.constant dense<0.000000e+00> : vector<256x512xf32>
      %dot_general3A_106 = tpu.matmul %convert_element_type3A_104, %convert_element_type3A_8, %dot_general3A_105 {dimension_numbers = #tpu.dot_dimension_numbers<[1], [0], [0], [1], [0, 0, 1, 1], [], []>, transpose_lhs_hint = false} : vector<256x1024xbf16>, vector<1024x512xbf16>, vector<256x512xf32> -> vector<256x512xf32>
      %dot_general3A_107 = arith.constant dense<0.000000e+00> : vector<256x512xf32>
      %dot_general3A_108 = tpu.matmul %convert_element_type3A_104, %convert_element_type3A_12, %dot_general3A_107 {dimension_numbers = #tpu.dot_dimension_numbers<[1], [0], [0], [1], [0, 0, 1, 1], [], []>, transpose_lhs_hint = false} : vector<256x1024xbf16>, vector<1024x512xbf16>, vector<256x512xf32> -> vector<256x512xf32>
      %logistic3A_109 = arith.negf %dot_general3A_106 : vector<256x512xf32>
      %logistic3A_110 = math.exp %logistic3A_109 : vector<256x512xf32>
      %logistic3A_111 = arith.constant 1.000000e+00 : f32
      %logistic3A_112 = vector.broadcast %logistic3A_111 : f32 to vector<256x512xf32>
      %logistic3A_113 = arith.addf %logistic3A_112, %logistic3A_110 : vector<256x512xf32>
      %logistic3A_114 = arith.divf %logistic3A_112, %logistic3A_113 : vector<256x512xf32>
      %mul3A_115 = arith.mulf %dot_general3A_106, %logistic3A_114 : vector<256x512xf32>
      %mul3A_116 = arith.mulf %mul3A_115, %dot_general3A_108 : vector<256x512xf32>
      %convert_element_type3A_117 = arith.truncf %mul3A_116 : vector<256x512xf32> to vector<256x512xbf16>
      %dot_general3A_118 = arith.constant dense<0.000000e+00> : vector<256x1024xf32>
      %dot_general3A_119 = tpu.matmul %convert_element_type3A_117, %convert_element_type3A_16, %dot_general3A_118 {dimension_numbers = #tpu.dot_dimension_numbers<[1], [0], [0], [1], [0, 0, 1, 1], [], []>, transpose_lhs_hint = false} : vector<256x512xbf16>, vector<512x1024xbf16>, vector<256x1024xf32> -> vector<256x1024xf32>
      %swap3A_120 = arith.constant 1024 : index
      %swap3A_121 = arith.constant 0 : index
      %swap3A_122 = vector.load %arg10[%swap3A_120, %swap3A_121] : memref<2048x1024xf32, #tpu.memory_space<vmem>>, vector<256x1024xf32>
      tpu.vector_store %arg10[%swap3A_120, %swap3A_121], %dot_general3A_119 {strides = array<i32>} : memref<2048x1024xf32, #tpu.memory_space<vmem>>, vector<256x1024xf32>,
      %get3A_123 = arith.constant 1280 : index
      %get3A_124 = arith.constant 0 : index
      %get3A_125 = vector.load %arg2[%get3A_123, %get3A_124] : memref<2048x1024xf32, #tpu.memory_space<vmem>>, vector<256x1024xf32>
      %convert_element_type3A_126 = arith.truncf %get3A_125 : vector<256x1024xf32> to vector<256x1024xbf16>
      %dot_general3A_127 = arith.constant dense<0.000000e+00> : vector<256x512xf32>
      %dot_general3A_128 = tpu.matmul %convert_element_type3A_126, %convert_element_type3A_8, %dot_general3A_127 {dimension_numbers = #tpu.dot_dimension_numbers<[1], [0], [0], [1], [0, 0, 1, 1], [], []>, transpose_lhs_hint = false} : vector<256x1024xbf16>, vector<1024x512xbf16>, vector<256x512xf32> -> vector<256x512xf32>
      %dot_general3A_129 = arith.constant dense<0.000000e+00> : vector<256x512xf32>
      %dot_general3A_130 = tpu.matmul %convert_element_type3A_126, %convert_element_type3A_12, %dot_general3A_129 {dimension_numbers = #tpu.dot_dimension_numbers<[1], [0], [0], [1], [0, 0, 1, 1], [], []>, transpose_lhs_hint = false} : vector<256x1024xbf16>, vector<1024x512xbf16>, vector<256x512xf32> -> vector<256x512xf32>
      %logistic3A_131 = arith.negf %dot_general3A_128 : vector<256x512xf32>
      %logistic3A_132 = math.exp %logistic3A_131 : vector<256x512xf32>
      %logistic3A_133 = arith.constant 1.000000e+00 : f32
      %logistic3A_134 = vector.broadcast %logistic3A_133 : f32 to vector<256x512xf32>
      %logistic3A_135 = arith.addf %logistic3A_134, %logistic3A_132 : vector<256x512xf32>
      %logistic3A_136 = arith.divf %logistic3A_134, %logistic3A_135 : vector<256x512xf32>
      %mul3A_137 = arith.mulf %dot_general3A_128, %logistic3A_136 : vector<256x512xf32>
      %mul3A_138 = arith.mulf %mul3A_137, %dot_general3A_130 : vector<256x512xf32>
      %convert_element_type3A_139 = arith.truncf %mul3A_138 : vector<256x512xf32> to vector<256x512xbf16>
      %dot_general3A_140 = arith.constant dense<0.000000e+00> : vector<256x1024xf32>
      %dot_general3A_141 = tpu.matmul %convert_element_type3A_139, %convert_element_type3A_16, %dot_general3A_140 {dimension_numbers = #tpu.dot_dimension_numbers<[1], [0], [0], [1], [0, 0, 1, 1], [], []>, transpose_lhs_hint = false} : vector<256x512xbf16>, vector<512x1024xbf16>, vector<256x1024xf32> -> vector<256x1024xf32>
      %swap3A_142 = arith.constant 1280 : index
      %swap3A_143 = arith.constant 0 : index
      %swap3A_144 = vector.load %arg10[%swap3A_142, %swap3A_143] : memref<2048x1024xf32, #tpu.memory_space<vmem>>, vector<256x1024xf32>
      tpu.vector_store %arg10[%swap3A_142, %swap3A_143], %dot_general3A_141 {strides = array<i32>} : memref<2048x1024xf32, #tpu.memory_space<vmem>>, vector<256x1024xf32>,
      %get3A_145 = arith.constant 1536 : index
      %get3A_146 = arith.constant 0 : index
      %get3A_147 = vector.load %arg2[%get3A_145, %get3A_146] : memref<2048x1024xf32, #tpu.memory_space<vmem>>, vector<256x1024xf32>
      %convert_element_type3A_148 = arith.truncf %get3A_147 : vector<256x1024xf32> to vector<256x1024xbf16>
      %dot_general3A_149 = arith.constant dense<0.000000e+00> : vector<256x512xf32>
      %dot_general3A_150 = tpu.matmul %convert_element_type3A_148, %convert_element_type3A_8, %dot_general3A_149 {dimension_numbers = #tpu.dot_dimension_numbers<[1], [0], [0], [1], [0, 0, 1, 1], [], []>, transpose_lhs_hint = false} : vector<256x1024xbf16>, vector<1024x512xbf16>, vector<256x512xf32> -> vector<256x512xf32>
      %dot_general3A_151 = arith.constant dense<0.000000e+00> : vector<256x512xf32>
      %dot_general3A_152 = tpu.matmul %convert_element_type3A_148, %convert_element_type3A_12, %dot_general3A_151 {dimension_numbers = #tpu.dot_dimension_numbers<[1], [0], [0], [1], [0, 0, 1, 1], [], []>, transpose_lhs_hint = false} : vector<256x1024xbf16>, vector<1024x512xbf16>, vector<256x512xf32> -> vector<256x512xf32>
      %logistic3A_153 = arith.negf %dot_general3A_150 : vector<256x512xf32>
      %logistic3A_154 = math.exp %logistic3A_153 : vector<256x512xf32>
      %logistic3A_155 = arith.constant 1.000000e+00 : f32
      %logistic3A_156 = vector.broadcast %logistic3A_155 : f32 to vector<256x512xf32>
      %logistic3A_157 = arith.addf %logistic3A_156, %logistic3A_154 : vector<256x512xf32>
      %logistic3A_158 = arith.divf %logistic3A_156, %logistic3A_157 : vector<256x512xf32>
      %mul3A_159 = arith.mulf %dot_general3A_150, %logistic3A_158 : vector<256x512xf32>
      %mul3A_160 = arith.mulf %mul3A_159, %dot_general3A_152 : vector<256x512xf32>
      %convert_element_type3A_161 = arith.truncf %mul3A_160 : vector<256x512xf32> to vector<256x512xbf16>
      %dot_general3A_162 = arith.constant dense<0.000000e+00> : vector<256x1024xf32>
      %dot_general3A_163 = tpu.matmul %convert_element_type3A_161, %convert_element_type3A_16, %dot_general3A_162 {dimension_numbers = #tpu.dot_dimension_numbers<[1], [0], [0], [1], [0, 0, 1, 1], [], []>, transpose_lhs_hint = false} : vector<256x512xbf16>, vector<512x1024xbf16>, vector<256x1024xf32> -> vector<256x1024xf32>
      %swap3A_164 = arith.constant 1536 : index
      %swap3A_165 = arith.constant 0 : index
      %swap3A_166 = vector.load %arg10[%swap3A_164, %swap3A_165] : memref<2048x1024xf32, #tpu.memory_space<vmem>>, vector<256x1024xf32>
      tpu.vector_store %arg10[%swap3A_164, %swap3A_165], %dot_general3A_163 {strides = array<i32>} : memref<2048x1024xf32, #tpu.memory_space<vmem>>, vector<256x1024xf32>,
      %get3A_167 = arith.constant 1792 : index
      %get3A_168 = arith.constant 0 : index
      %get3A_169 = vector.load %arg2[%get3A_167, %get3A_168] : memref<2048x1024xf32, #tpu.memory_space<vmem>>, vector<256x1024xf32>
      %convert_element_type3A_170 = arith.truncf %get3A_169 : vector<256x1024xf32> to vector<256x1024xbf16>
      %dot_general3A_171 = arith.constant dense<0.000000e+00> : vector<256x512xf32>
      %dot_general3A_172 = tpu.matmul %convert_element_type3A_170, %convert_element_type3A_8, %dot_general3A_171 {dimension_numbers = #tpu.dot_dimension_numbers<[1], [0], [0], [1], [0, 0, 1, 1], [], []>, transpose_lhs_hint = false} : vector<256x1024xbf16>, vector<1024x512xbf16>, vector<256x512xf32> -> vector<256x512xf32>
      %dot_general3A_173 = arith.constant dense<0.000000e+00> : vector<256x512xf32>
      %dot_general3A_174 = tpu.matmul %convert_element_type3A_170, %convert_element_type3A_12, %dot_general3A_173 {dimension_numbers = #tpu.dot_dimension_numbers<[1], [0], [0], [1], [0, 0, 1, 1], [], []>, transpose_lhs_hint = false} : vector<256x1024xbf16>, vector<1024x512xbf16>, vector<256x512xf32> -> vector<256x512xf32>
      %logistic3A_175 = arith.negf %dot_general3A_172 : vector<256x512xf32>
      %logistic3A_176 = math.exp %logistic3A_175 : vector<256x512xf32>
      %logistic3A_177 = arith.constant 1.000000e+00 : f32
      %logistic3A_178 = vector.broadcast %logistic3A_177 : f32 to vector<256x512xf32>
      %logistic3A_179 = arith.addf %logistic3A_178, %logistic3A_176 : vector<256x512xf32>
      %logistic3A_180 = arith.divf %logistic3A_178, %logistic3A_179 : vector<256x512xf32>
      %mul3A_181 = arith.mulf %dot_general3A_172, %logistic3A_180 : vector<256x512xf32>
      %mul3A_182 = arith.mulf %mul3A_181, %dot_general3A_174 : vector<256x512xf32>
      %convert_element_type3A_183 = arith.truncf %mul3A_182 : vector<256x512xf32> to vector<256x512xbf16>
      %dot_general3A_184 = arith.constant dense<0.000000e+00> : vector<256x1024xf32>
      %dot_general3A_185 = tpu.matmul %convert_element_type3A_183, %convert_element_type3A_16, %dot_general3A_184 {dimension_numbers = #tpu.dot_dimension_numbers<[1], [0], [0], [1], [0, 0, 1, 1], [], []>, transpose_lhs_hint = false} : vector<256x512xbf16>, vector<512x1024xbf16>, vector<256x1024xf32> -> vector<256x1024xf32>
      %swap3A_186 = arith.constant 1792 : index
      %swap3A_187 = arith.constant 0 : index
      %swap3A_188 = vector.load %arg10[%swap3A_186, %swap3A_187] : memref<2048x1024xf32, #tpu.memory_space<vmem>>, vector<256x1024xf32>
      tpu.vector_store %arg10[%swap3A_186, %swap3A_187], %dot_general3A_185 {strides = array<i32>} : memref<2048x1024xf32, #tpu.memory_space<vmem>>, vector<256x1024xf32>,
    } else {
    }
    %gt3A = arith.constant 0 : i32
    %gt3A_2 = arith.cmpi sgt, %arg0, %gt3A : i32
    %convert_element_type3A_3 = arith.extui %gt3A_2 : i1 to i32
    %cond3A_4 = arith.constant 0 : i32
    %cond3A_5 = arith.cmpi ne, %convert_element_type3A_3, %cond3A_4 : i32
    scf.if %cond3A_5 {
      %sub3A = arith.constant 1 : i32
      %sub3A_6 = arith.subi %arg0, %sub3A : i32
      %get3A = arith.constant 2 : index
      %get3A_7 = arith.index_cast %sub3A_6 : i32 to index
      %get3A_8 = memref.load %arg1[%get3A, %get3A_7] : memref<4x8xi32, #tpu.memory_space<smem>>
      %get3A_9 = arith.constant 3 : index
      %get3A_10 = arith.index_cast %sub3A_6 : i32 to index
      %get3A_11 = memref.load %arg1[%get3A_9, %get3A_10] : memref<4x8xi32, #tpu.memory_space<smem>>
      %get3A_12 = arith.constant 0 : index
      %get3A_13 = arith.constant 0 : index
      %get3A_14 = vector.load %arg3[%get3A_12, %get3A_13] : memref<1024x8xf32, #tpu.memory_space<vmem>>, vector<1024x8xf32>
      %get3A_15 = arith.constant 0 : index
      %get3A_16 = arith.constant 0 : index
      %get3A_17 = arith.constant 0 : index
      %get3A_18 = vector.load %arg4[%get3A_15, %get3A_16, %get3A_17] : memref<1x1024x512xf32, #tpu.memory_space<vmem>>, vector<1x1024x512xf32>
      %get3A_19 = vector.shape_cast %get3A_18 : vector<1x1024x512xf32> to vector<1024x512xf32>
      %convert_element_type3A_20 = arith.truncf %get3A_19 : vector<1024x512xf32> to vector<1024x512xbf16>
      %get3A_21 = arith.constant 0 : index
      %get3A_22 = arith.constant 0 : index
      %get3A_23 = arith.constant 0 : index
      %get3A_24 = vector.load %arg5[%get3A_21, %get3A_22, %get3A_23] : memref<1x1024x512xf32, #tpu.memory_space<vmem>>, vector<1x1024x512xf32>
      %get3A_25 = vector.shape_cast %get3A_24 : vector<1x1024x512xf32> to vector<1024x512xf32>
      %convert_element_type3A_26 = arith.truncf %get3A_25 : vector<1024x512xf32> to vector<1024x512xbf16>
      %get3A_27 = arith.constant 0 : index
      %get3A_28 = arith.constant 0 : index
      %get3A_29 = arith.constant 0 : index
      %get3A_30 = vector.load %arg6[%get3A_27, %get3A_28, %get3A_29] : memref<1x512x1024xf32, #tpu.memory_space<vmem>>, vector<1x512x1024xf32>
      %get3A_31 = vector.shape_cast %get3A_30 : vector<1x512x1024xf32> to vector<512x1024xf32>
      %convert_element_type3A_32 = arith.truncf %get3A_31 : vector<512x1024xf32> to vector<512x1024xbf16>
      %get3A_33 = arith.constant 0 : index
      %get3A_34 = arith.index_cast %sub3A_6 : i32 to index
      %get3A_35 = memref.load %arg1[%get3A_33, %get3A_34] : memref<4x8xi32, #tpu.memory_space<smem>>
      %get3A_36 = arith.constant 1 : index
      %get3A_37 = arith.index_cast %sub3A_6 : i32 to index
      %get3A_38 = memref.load %arg1[%get3A_36, %get3A_37] : memref<4x8xi32, #tpu.memory_space<smem>>
      %while3A = arith.constant 0 : i32
      %while3A_39 = arith.subi %get3A_38, %get3A_35 : i32
      %while3A_40 = arith.addi %get3A_35, %while3A_39 : i32
      %while3A_41 = arith.constant 1 : i32
      %while3A_42 = arith.divsi %while3A_39, %while3A_41 : i32
      %while3A_43 = arith.muli %while3A_42, %while3A_41 : i32
      %while3A_44 = arith.addi %get3A_35, %while3A_43 : i32
      %while3A_45 = arith.constant 1 : i32
      scf.for %while3A_47 = %get3A_35 to %while3A_44 step %while3A_45  : i32 {
        %mul3A = arith.constant 256 : i32
        %mul3A_48 = arith.muli %while3A_47, %mul3A : i32
        %multiple_of3A = tpu.assume_multiple %mul3A_48, 256 : i32
        %get3A_49 = arith.index_cast %multiple_of3A : i32 to index
        %get3A_50 = arith.constant 0 : index
        %get3A_51 = vector.load %arg2[%get3A_49, %get3A_50] : memref<2048x1024xf32, #tpu.memory_space<vmem>>, vector<256x1024xf32>
        %dot_general3A = arith.constant dense<0.000000e+00> : vector<256x8xf32>
        %dot_general3A_52 = tpu.matmul %get3A_51, %get3A_14, %dot_general3A {dimension_numbers = #tpu.dot_dimension_numbers<[1], [0], [0], [1], [0, 0, 1, 1], [], []>, transpose_lhs_hint = false} : vector<256x1024xf32>, vector<1024x8xf32>, vector<256x8xf32> -> vector<256x8xf32>
        %reduce_max3A = arith.constant dense<0xFF800000> : vector<256xf32>
        %reduce_max3A_53 = vector.multi_reduction <maximumf>, %dot_general3A_52, %reduce_max3A [1] : vector<256x8xf32> to vector<256xf32>
        %logistic3A = arith.negf %reduce_max3A_53 : vector<256xf32>
        %logistic3A_54 = math.exp %logistic3A : vector<256xf32>
        %logistic3A_55 = arith.constant 1.000000e+00 : f32
        %logistic3A_56 = vector.broadcast %logistic3A_55 : f32 to vector<256xf32>
        %logistic3A_57 = arith.addf %logistic3A_56, %logistic3A_54 : vector<256xf32>
        %logistic3A_58 = arith.divf %logistic3A_56, %logistic3A_57 : vector<256xf32>
        %convert_element_type3A_59 = arith.truncf %get3A_51 : vector<256x1024xf32> to vector<256x1024xbf16>
        %dot_general3A_60 = arith.constant dense<0.000000e+00> : vector<256x512xf32>
        %dot_general3A_61 = tpu.matmul %convert_element_type3A_59, %convert_element_type3A_20, %dot_general3A_60 {dimension_numbers = #tpu.dot_dimension_numbers<[1], [0], [0], [1], [0, 0, 1, 1], [], []>, transpose_lhs_hint = false} : vector<256x1024xbf16>, vector<1024x512xbf16>, vector<256x512xf32> -> vector<256x512xf32>
        %dot_general3A_62 = arith.constant dense<0.000000e+00> : vector<256x512xf32>
        %dot_general3A_63 = tpu.matmul %convert_element_type3A_59, %convert_element_type3A_26, %dot_general3A_62 {dimension_numbers = #tpu.dot_dimension_numbers<[1], [0], [0], [1], [0, 0, 1, 1], [], []>, transpose_lhs_hint = false} : vector<256x1024xbf16>, vector<1024x512xbf16>, vector<256x512xf32> -> vector<256x512xf32>
        %logistic3A_64 = arith.negf %dot_general3A_61 : vector<256x512xf32>
        %logistic3A_65 = math.exp %logistic3A_64 : vector<256x512xf32>
        %logistic3A_66 = arith.constant 1.000000e+00 : f32
        %logistic3A_67 = vector.broadcast %logistic3A_66 : f32 to vector<256x512xf32>
        %logistic3A_68 = arith.addf %logistic3A_67, %logistic3A_65 : vector<256x512xf32>
        %logistic3A_69 = arith.divf %logistic3A_67, %logistic3A_68 : vector<256x512xf32>
        %mul3A_70 = arith.mulf %dot_general3A_61, %logistic3A_69 : vector<256x512xf32>
        %mul3A_71 = arith.mulf %mul3A_70, %dot_general3A_63 : vector<256x512xf32>
        %convert_element_type3A_72 = arith.truncf %mul3A_71 : vector<256x512xf32> to vector<256x512xbf16>
        %dot_general3A_73 = arith.constant dense<0.000000e+00> : vector<256x1024xf32>
        %dot_general3A_74 = tpu.matmul %convert_element_type3A_72, %convert_element_type3A_32, %dot_general3A_73 {dimension_numbers = #tpu.dot_dimension_numbers<[1], [0], [0], [1], [0, 0, 1, 1], [], []>, transpose_lhs_hint = false} : vector<256x512xbf16>, vector<512x1024xbf16>, vector<256x1024xf32> -> vector<256x1024xf32>
        %iota3A = tpu.iota {dimensions = array<i32: 0>} : vector<256x1xi32>
        %add3A = vector.broadcast %multiple_of3A : i32 to vector<256x1xi32>
        %add3A_75 = arith.addi %add3A, %iota3A : vector<256x1xi32>
        %ge3A = vector.broadcast %get3A_8 : i32 to vector<256x1xi32>
        %ge3A_76 = arith.cmpi sge, %add3A_75, %ge3A : vector<256x1xi32>
        %lt3A = vector.broadcast %get3A_11 : i32 to vector<256x1xi32>
        %lt3A_77 = arith.cmpi slt, %add3A_75, %lt3A : vector<256x1xi32>
        %and3A = arith.andi %ge3A_76, %lt3A_77 : vector<256x1xi1>
        %broadcast_in_dim3A = vector.shape_cast %logistic3A_58 : vector<256xf32> to vector<256x1xf32>
        %mul3A_78 = vector.broadcast %broadcast_in_dim3A : vector<256x1xf32> to vector<256x1024xf32>
        %mul3A_79 = arith.mulf %mul3A_78, %dot_general3A_74 : vector<256x1024xf32>
        %jit3A = arith.constant 0.000000e+00 : f32
        %broadcast_in_dim3A_80 = vector.shape_cast %and3A : vector<256x1xi1> to vector<256x1xi1>
        %broadcast_in_dim3A_81 = vector.broadcast %broadcast_in_dim3A_80 : vector<256x1xi1> to vector<256x1024xi1>
        %broadcast_in_dim3A_82 = vector.broadcast %jit3A : f32 to vector<256x1024xf32>
        %select_n3A = arith.select %broadcast_in_dim3A_81, %mul3A_79, %broadcast_in_dim3A_82 : vector<256x1024xi1>, vector<256x1024xf32>
        %get3A_83 = arith.index_cast %multiple_of3A : i32 to index
        %get3A_84 = arith.constant 0 : index
        %get3A_85 = vector.load %arg10[%get3A_83, %get3A_84] : memref<2048x1024xf32, #tpu.memory_space<vmem>>, vector<256x1024xf32>
        %add3A_86 = arith.addf %get3A_85, %select_n3A : vector<256x1024xf32>
        %swap3A = arith.index_cast %multiple_of3A : i32 to index
        %swap3A_87 = arith.constant 0 : index
        %swap3A_88 = vector.load %arg10[%swap3A, %swap3A_87] : memref<2048x1024xf32, #tpu.memory_space<vmem>>, vector<256x1024xf32>
        tpu.vector_store %arg10[%swap3A, %swap3A_87], %add3A_86 {strides = array<i32>} : memref<2048x1024xf32, #tpu.memory_space<vmem>>, vector<256x1024xf32>,
      }
      %while3A_46 = arith.constant 1 : i32
      scf.for %while3A_47 = %while3A_44 to %while3A_40 step %while3A_46  : i32 {
        %mul3A = arith.constant 256 : i32
        %mul3A_48 = arith.muli %while3A_47, %mul3A : i32
        %multiple_of3A = tpu.assume_multiple %mul3A_48, 256 : i32
        %get3A_49 = arith.index_cast %multiple_of3A : i32 to index
        %get3A_50 = arith.constant 0 : index
        %get3A_51 = vector.load %arg2[%get3A_49, %get3A_50] : memref<2048x1024xf32, #tpu.memory_space<vmem>>, vector<256x1024xf32>
        %dot_general3A = arith.constant dense<0.000000e+00> : vector<256x8xf32>
        %dot_general3A_52 = tpu.matmul %get3A_51, %get3A_14, %dot_general3A {dimension_numbers = #tpu.dot_dimension_numbers<[1], [0], [0], [1], [0, 0, 1, 1], [], []>, transpose_lhs_hint = false} : vector<256x1024xf32>, vector<1024x8xf32>, vector<256x8xf32> -> vector<256x8xf32>
        %reduce_max3A = arith.constant dense<0xFF800000> : vector<256xf32>
        %reduce_max3A_53 = vector.multi_reduction <maximumf>, %dot_general3A_52, %reduce_max3A [1] : vector<256x8xf32> to vector<256xf32>
        %logistic3A = arith.negf %reduce_max3A_53 : vector<256xf32>
        %logistic3A_54 = math.exp %logistic3A : vector<256xf32>
        %logistic3A_55 = arith.constant 1.000000e+00 : f32
        %logistic3A_56 = vector.broadcast %logistic3A_55 : f32 to vector<256xf32>
        %logistic3A_57 = arith.addf %logistic3A_56, %logistic3A_54 : vector<256xf32>
        %logistic3A_58 = arith.divf %logistic3A_56, %logistic3A_57 : vector<256xf32>
        %convert_element_type3A_59 = arith.truncf %get3A_51 : vector<256x1024xf32> to vector<256x1024xbf16>
        %dot_general3A_60 = arith.constant dense<0.000000e+00> : vector<256x512xf32>
        %dot_general3A_61 = tpu.matmul %convert_element_type3A_59, %convert_element_type3A_20, %dot_general3A_60 {dimension_numbers = #tpu.dot_dimension_numbers<[1], [0], [0], [1], [0, 0, 1, 1], [], []>, transpose_lhs_hint = false} : vector<256x1024xbf16>, vector<1024x512xbf16>, vector<256x512xf32> -> vector<256x512xf32>
        %dot_general3A_62 = arith.constant dense<0.000000e+00> : vector<256x512xf32>
        %dot_general3A_63 = tpu.matmul %convert_element_type3A_59, %convert_element_type3A_26, %dot_general3A_62 {dimension_numbers = #tpu.dot_dimension_numbers<[1], [0], [0], [1], [0, 0, 1, 1], [], []>, transpose_lhs_hint = false} : vector<256x1024xbf16>, vector<1024x512xbf16>, vector<256x512xf32> -> vector<256x512xf32>
        %logistic3A_64 = arith.negf %dot_general3A_61 : vector<256x512xf32>
        %logistic3A_65 = math.exp %logistic3A_64 : vector<256x512xf32>
        %logistic3A_66 = arith.constant 1.000000e+00 : f32
        %logistic3A_67 = vector.broadcast %logistic3A_66 : f32 to vector<256x512xf32>
        %logistic3A_68 = arith.addf %logistic3A_67, %logistic3A_65 : vector<256x512xf32>
        %logistic3A_69 = arith.divf %logistic3A_67, %logistic3A_68 : vector<256x512xf32>
        %mul3A_70 = arith.mulf %dot_general3A_61, %logistic3A_69 : vector<256x512xf32>
        %mul3A_71 = arith.mulf %mul3A_70, %dot_general3A_63 : vector<256x512xf32>
        %convert_element_type3A_72 = arith.truncf %mul3A_71 : vector<256x512xf32> to vector<256x512xbf16>
        %dot_general3A_73 = arith.constant dense<0.000000e+00> : vector<256x1024xf32>
        %dot_general3A_74 = tpu.matmul %convert_element_type3A_72, %convert_element_type3A_32, %dot_general3A_73 {dimension_numbers = #tpu.dot_dimension_numbers<[1], [0], [0], [1], [0, 0, 1, 1], [], []>, transpose_lhs_hint = false} : vector<256x512xbf16>, vector<512x1024xbf16>, vector<256x1024xf32> -> vector<256x1024xf32>
        %iota3A = tpu.iota {dimensions = array<i32: 0>} : vector<256x1xi32>
        %add3A = vector.broadcast %multiple_of3A : i32 to vector<256x1xi32>
        %add3A_75 = arith.addi %add3A, %iota3A : vector<256x1xi32>
        %ge3A = vector.broadcast %get3A_8 : i32 to vector<256x1xi32>
        %ge3A_76 = arith.cmpi sge, %add3A_75, %ge3A : vector<256x1xi32>
        %lt3A = vector.broadcast %get3A_11 : i32 to vector<256x1xi32>
        %lt3A_77 = arith.cmpi slt, %add3A_75, %lt3A : vector<256x1xi32>
        %and3A = arith.andi %ge3A_76, %lt3A_77 : vector<256x1xi1>
        %broadcast_in_dim3A = vector.shape_cast %logistic3A_58 : vector<256xf32> to vector<256x1xf32>
        %mul3A_78 = vector.broadcast %broadcast_in_dim3A : vector<256x1xf32> to vector<256x1024xf32>
        %mul3A_79 = arith.mulf %mul3A_78, %dot_general3A_74 : vector<256x1024xf32>
        %jit3A = arith.constant 0.000000e+00 : f32
        %broadcast_in_dim3A_80 = vector.shape_cast %and3A : vector<256x1xi1> to vector<256x1xi1>
        %broadcast_in_dim3A_81 = vector.broadcast %broadcast_in_dim3A_80 : vector<256x1xi1> to vector<256x1024xi1>
        %broadcast_in_dim3A_82 = vector.broadcast %jit3A : f32 to vector<256x1024xf32>
        %select_n3A = arith.select %broadcast_in_dim3A_81, %mul3A_79, %broadcast_in_dim3A_82 : vector<256x1024xi1>, vector<256x1024xf32>
        %get3A_83 = arith.index_cast %multiple_of3A : i32 to index
        %get3A_84 = arith.constant 0 : index
        %get3A_85 = vector.load %arg10[%get3A_83, %get3A_84] : memref<2048x1024xf32, #tpu.memory_space<vmem>>, vector<256x1024xf32>
        %add3A_86 = arith.addf %get3A_85, %select_n3A : vector<256x1024xf32>
        %swap3A = arith.index_cast %multiple_of3A : i32 to index
        %swap3A_87 = arith.constant 0 : index
        %swap3A_88 = vector.load %arg10[%swap3A, %swap3A_87] : memref<2048x1024xf32, #tpu.memory_space<vmem>>, vector<256x1024xf32>
        tpu.vector_store %arg10[%swap3A, %swap3A_87], %add3A_86 {strides = array<i32>} : memref<2048x1024xf32, #tpu.memory_space<vmem>>, vector<256x1024xf32>,
      }
    } else {
    }
    return
  }
  func.func @transform_0(%arg0: i32, %arg1: memref<4x8xi32, #tpu.memory_space<smem>>) -> (i32, i32) {
    %c0_i32 = arith.constant 0 : i32
    %c0_i32_0 = arith.constant 0 : i32
    %c0_i32_1 = arith.constant 0 : i32
    return %c0_i32, %c0_i32_0 : i32, i32
  }
  func.func @transform_1(%arg0: i32, %arg1: memref<4x8xi32, #tpu.memory_space<smem>>) -> (i32, i32) {
    %c0_i32 = arith.constant 0 : i32
    %c0_i32_0 = arith.constant 0 : i32
    %c0_i32_1 = arith.constant 0 : i32
    return %c0_i32, %c0_i32_0 : i32, i32
  }
  func.func @transform_2(%arg0: i32, %arg1: memref<4x8xi32, #tpu.memory_space<smem>>) -> (i32, i32, i32) {
    %sub3A = arith.constant 1 : i32
    %sub3A_0 = arith.subi %arg0, %sub3A : i32
    %max3A = arith.constant 0 : i32
    %max3A_1 = arith.maxsi %sub3A_0, %max3A : i32
    %c0_i32 = arith.constant 0 : i32
    %c0_i32_2 = arith.constant 0 : i32
    %c0_i32_3 = arith.constant 0 : i32
    return %max3A_1, %c0_i32, %c0_i32_2 : i32, i32, i32
  }
  func.func @transform_3(%arg0: i32, %arg1: memref<4x8xi32, #tpu.memory_space<smem>>) -> (i32, i32, i32) {
    %sub3A = arith.constant 1 : i32
    %sub3A_0 = arith.subi %arg0, %sub3A : i32
    %max3A = arith.constant 0 : i32
    %max3A_1 = arith.maxsi %sub3A_0, %max3A : i32
    %c0_i32 = arith.constant 0 : i32
    %c0_i32_2 = arith.constant 0 : i32
    %c0_i32_3 = arith.constant 0 : i32
    return %max3A_1, %c0_i32, %c0_i32_2 : i32, i32, i32
  }
  func.func @transform_4(%arg0: i32, %arg1: memref<4x8xi32, #tpu.memory_space<smem>>) -> (i32, i32, i32) {
    %sub3A = arith.constant 1 : i32
    %sub3A_0 = arith.subi %arg0, %sub3A : i32
    %max3A = arith.constant 0 : i32
    %max3A_1 = arith.maxsi %sub3A_0, %max3A : i32
    %c0_i32 = arith.constant 0 : i32
    %c0_i32_2 = arith.constant 0 : i32
    %c0_i32_3 = arith.constant 0 : i32
    return %max3A_1, %c0_i32, %c0_i32_2 : i32, i32, i32
  }
  func.func @transform_5(%arg0: i32, %arg1: memref<4x8xi32, #tpu.memory_space<smem>>) -> (i32, i32) {
    %c0_i32 = arith.constant 0 : i32
    %c0_i32_0 = arith.constant 0 : i32
    %c0_i32_1 = arith.constant 0 : i32
    return %c0_i32, %c0_i32_0 : i32, i32
  }
  func.func @transform_6(%arg0: i32, %arg1: memref<4x8xi32, #tpu.memory_space<smem>>) -> (i32, i32) {
    %c0_i32 = arith.constant 0 : i32
    %c0_i32_0 = arith.constant 0 : i32
    %c0_i32_1 = arith.constant 0 : i32
    return %c0_i32, %c0_i32_0 : i32, i32
  }
  func.func @transform_7(%arg0: i32, %arg1: memref<4x8xi32, #tpu.memory_space<smem>>) -> (i32, i32) {
    %c0_i32 = arith.constant 0 : i32
    %c0_i32_0 = arith.constant 0 : i32
    %c0_i32_1 = arith.constant 0 : i32
    return %c0_i32, %c0_i32_0 : i32, i32
  }
  func.func @transform_8(%arg0: i32, %arg1: memref<4x8xi32, #tpu.memory_space<smem>>) -> (i32, i32) {
    %c0_i32 = arith.constant 0 : i32
    %c0_i32_0 = arith.constant 0 : i32
    %c0_i32_1 = arith.constant 0 : i32
    return %c0_i32, %c0_i32_0 : i32, i32
  }
}

</mosaic_0001>

<sc_bundles>
// kernel: kernel.6.cloned.1.call-start
scs
__scs_entry_jumppad:
0x0: {  	(pc) =	sbr.rel $0x88, $3  }
0x1: {  	(tag) =	ssettag $0x0;
	lr =	simm.s32 $0x1  }
0x2: {  	[smem:$0x3F99] =	sst lr;
	_ =	strace $0xD0000000  }
0x3: {  	_ = 	snop  }
0x4: {  	_ = 	snop  }
0x5: {  	_ = 	snop  }
0x6: {  	_ = 	snop  }
0x7: {  	_ = 	snop  }
__scs_overlays_trampoline_lowered:
0x8: {  	[smem:$0x3FA8] =	sst s0  }
0x9: {  	[smem:$0x3FA9] =	sst s1  }
0xa: {  	[smem:$0x3FAA] =	sst s2  }
0xb: {  	[smem:$0x3FAB] =	sst s3  }
0xc: {  	[smem:$0x3FAC] =	sst s4  }
0xd: {  	[smem:$0x3FAD] =	sst s5  }
0xe: {  	[smem:$0x3FAE] =	sst s6  }
0xf: {  	[smem:$0x3FAF] =	sst s7  }
0x10: {  	[smem:$0x3FB0] =	sst s8  }
0x11: {  	[smem:$0x3FB1] =	sst s9;
	s0 =	simm.s32 @!p0 $0x0  }
0x12: {  	s1 =	sld [smem:$0x3F97];
	s0 =	simm.s32 @p0 $0x1  }
0x13: {  	[smem:$0x3FB2] =	sst s0;
	s0 =	simm.s32 @!p1 $0x0  }
0x14: {  	s2 =	sld [smem:$0x3F96];
	s0 =	simm.s32 @p1 $0x1  }
0x15: {  	[smem:$0x3FB3] =	sst s0;
	s0 =	simm.s32 @!p2 $0x0  }
0x16: {  	s3 =	sld [smem:$0x3FDB];
	s0 =	simm.s32 @p2 $0x1  }
0x17: {  	s4 =	simm.s32 $0x1BF5;
	[smem:$0x3FB5] =	sst s0  }
0x18: {  	s0 =	sld [smem:$0x3F98];
	_ =	swait.ge [sflag:s4], $0x0  }
0x19: {  	s7 =	sld [smem:$0x3F99]  }
0x1a: {  	s8 =	sadd.s32 $0xFFFFE003, lr  }
0x1b: {  	s9 =	sadd.s32 $0xFFFFFEF7, lr;
	s5 =	simm.s32 $0xFFFFFFFF;
	p2 =	slt.u32 s8, $0xFFFFF086  }
0x1c: {  	p1 =	slt.u32 s9, $0xF7A;
	s5 =	simm.s32 @!p2 $0x0  }
0x1d: {  	s5 =	simm.s32 @p1 $0x1;
	p0 =	seq.s32 s7, s2  }
0x1e: {  	s7 =	smul.u32 @!p0 $0xF7A, s2;
	p2 =	seq.s32 @!p0 s5, $0x0  }
0x1f: {  	s9 =	smul.u32 $0xF7A, s1;
	s8 =	simm.s32 @!p0 $0x1BF5;
	p2 =	por !p2, p0  }
0x20: {  	[sflag:s8] =	ssyncset.s32 @!p0 $0xFFFFF086;
	s6 =	sadd.s32 @!p0 s3, s7;
	s7 =	simm.s32 @!p0 $0x108  }
0x21: {  	s3 =	sadd.s32 s3, s9;
	s6 =	sadd.s32 @!p0 $0x88, s6;
	s7 =	simm.s32 @p2 $0x1082  }
0x22: {  	[simem:s7], [sflag:s8] =	dma.local @!p0 [hbm:s6], $0xF7A  }
0x23: {  	s9 =	sor.u32 $0xD0000000, s2;
	s6 =	simm.s32 $0x108;
	_ =	swait.ge @!p0 [sflag:s8], $0x0  }
0x24: {  	s3 =	sadd.s32 $0x88, s3;
	s6 =	simm.s32 @!p1 $0x1082;
	[sflag:s4] =	ssyncset.s32 $0xFFFFF086  }
0x25: {  	[simem:s6], [sflag:s4] =	dma.local [hbm:s3], $0xF7A  }
0x26: {  	[smem:$0x3F99] =	sst s1;
	(tag) =	ssettag s2;
	_ =	strace s9  }
0x27: {  	s1 =	sld [smem:$0x3FA9]  }
0x28: {  	s2 =	sld [smem:$0x3FAA]  }
0x29: {  	s4 =	sld [smem:$0x3FAC]  }
0x2a: {  	p0 =	seq.s32 s5, $0x0;
	s5 =	sld [smem:$0x3FAD]  }
0x2b: {  	s6 =	sld [smem:$0x3FAE]  }
0x2c: {  	s7 =	sld [smem:$0x3FAF]  }
0x2d: {  	s3 =	simm.s32 $0x108;
	s8 =	sld [smem:$0x3FB0]  }
0x2e: {  	s3 =	simm.s32 @!p0 $0x1082;
	s9 =	sld [smem:$0x3FB1]  }
0x2f: {  	lr =	sadd.s32 s0, s3;
	s0 =	sld [smem:$0x3FA8]  }
0x30: {  	s3 =	sld [smem:$0x3FAB]  }
0x31: {  	[smem:$0x3FB4] =	sst s10  }
0x32: {  	s10 =	sld [smem:$0x3FB2];
	_ =	sdelay $0x3  }
0x33: {  	p0 =	seq.s32 s10, $0x1;
	s10 =	sld [smem:$0x3FB4];
	_ =	sdelay $0x3  }
0x34: {  	[smem:$0x3FB4] =	sst s10  }
0x35: {  	s10 =	sld [smem:$0x3FB3];
	_ =	sdelay $0x3  }
0x36: {  	p1 =	seq.s32 s10, $0x1;
	s10 =	sld [smem:$0x3FB4];
	_ =	sdelay $0x3  }
0x37: {  	[smem:$0x3FB4] =	sst s10  }
0x38: {  	s10 =	sld [smem:$0x3FB5]  }
0x39: {  	_ = 	snop;
	(pc) =	sbr.ind lr, $3  }
0x3a: {  	_ = 	snop  }
0x3b: {  	_ = 	snop  }
0x3c: {  	p2 =	seq.s32 s10, $0x1;
	s10 =	sld [smem:$0x3FB4]  }
0x3d: {  	_ =	shalt  }
0x3e: {  	_ =	shalt  }
0x3f: {  	_ =	shalt  }
0x40: {  	_ =	shalt  }
0x41: {  	_ =	shalt  }
0x42: {  	_ =	shalt  }
0x43: {  	_ =	shalt  }
0x44: {  	_ =	shalt  }
0x45: {  	_ =	shalt  }
0x46: {  	_ =	shalt  }
0x47: {  	_ =	shalt  }
0x48: {  	_ =	shalt  }
0x49: {  	_ =	shalt  }
0x4a: {  	_ =	shalt  }
0x4b: {  	_ =	shalt  }
0x4c: {  	_ =	shalt  }
0x4d: {  	_ =	shalt  }
0x4e: {  	_ =	shalt  }
0x4f: {  	_ =	shalt  }
0x50: {  	_ =	shalt  }
0x51: {  	_ =	shalt  }
0x52: {  	_ =	shalt  }
0x53: {  	_ =	shalt  }
0x54: {  	_ =	shalt  }
0x55: {  	_ =	shalt  }
0x56: {  	_ =	shalt  }
0x57: {  	_ =	shalt  }
0x58: {  	_ =	shalt  }
0x59: {  	_ =	shalt  }
0x5a: {  	_ =	shalt  }
0x5b: {  	_ =	shalt  }
0x5c: {  	_ =	shalt  }
0x5d: {  	_ =	shalt  }
0x5e: {  	_ =	shalt  }
0x5f: {  	_ =	shalt  }
0x60: {  	_ =	shalt  }
0x61: {  	_ =	shalt  }
0x62: {  	_ =	shalt  }
0x63: {  	_ =	shalt  }
0x64: {  	_ =	shalt  }
0x65: {  	_ =	shalt  }
0x66: {  	_ =	shalt  }
0x67: {  	_ =	shalt  }
0x68: {  	_ =	shalt  }
0x69: {  	_ =	shalt  }
0x6a: {  	_ =	shalt  }
0x6b: {  	_ =	shalt  }
0x6c: {  	_ =	shalt  }
0x6d: {  	_ =	shalt  }
0x6e: {  	_ =	shalt  }
0x6f: {  	_ =	shalt  }
0x70: {  	_ =	shalt  }
0x71: {  	_ =	shalt  }
0x72: {  	_ =	shalt  }
0x73: {  	_ =	shalt  }
0x74: {  	_ =	shalt  }
0x75: {  	_ =	shalt  }
0x76: {  	_ =	shalt  }
0x77: {  	_ =	shalt  }
0x78: {  	_ =	shalt  }
0x79: {  	_ =	shalt  }
0x7a: {  	_ =	shalt  }
0x7b: {  	_ =	shalt  }
0x7c: {  	_ =	shalt  }
0x7d: {  	_ =	shalt  }
0x7e: {  	_ =	shalt  }
0x7f: {  	_ =	shalt  }
0x80: {  	_ =	shalt  }
0x81: {  	_ =	shalt  }
0x82: {  	_ =	shalt  }
0x83: {  	_ =	shalt  }
0x84: {  	_ =	shalt  }
0x85: {  	_ =	shalt  }
0x86: {  	_ =	shalt  }
0x87: {  	_ =	shalt  }
.Lfunc_end0:
.L_simem_size_0:
called_computation_lowered:
.L_overlay_start_0:
0x88: {  	s2 =	sld [smem:$0x3FD9]  }
0x89: {  	s3 =	sld [smem:$0x3FFE];
	_ =	sdelay $0x1  }
0x8a: {  	s1 =	srdreg.scid  }
0x8b: {  	s0 =	sand.u32 $0x1, s1  }
0x8c: {  	s17 =	sshll.u32 s0, $0xA;
	s2 =	sadd.s32 s3, s2  }
0x8d: {  	s2 =	sadd.s32 s2, s17  }
0x8e: {  	[smem:$0x3FC0] =	sst s2  }
0x8f: {  	_ = 	snop  }
0x90: {  	s2 =	sld [smem:$0x3FC9]  }
0x91: {  	s18 =	sld [smem:$0x3FD0];
	(tm) =	ssettm $0x1  }
0x92: {  	s4 =	sld [smem:$0x3FFB];
	_ =	sdelay $0x3  }
0x93: {  	_ =	strace s4  }
0x94: {  	s4 =	sld [smem:$0x3FFC];
	_ =	sdelay $0x3  }
0x95: {  	_ =	strace s4  }
0x96: {  	s4 =	sld [smem:$0x3FFD];
	_ =	sdelay $0x3  }
0x97: {  	_ =	strace s4  }
0x98: {  	_ =	strace $0x8FFFFFFF  }
0x99: {  	s19 =	sld [smem:$0x3FDB];
	_ =	sdelay $0x1  }
0x9a: {  	s5 =	simm.s32 $_scs_section_size  }
0x9b: {  	s6 =	simm.s32 $_size__tile_overlayer_lowered;
	s7 =	simm.s32 $_tile_overlayer_lowered  }
0x9c: {  	s22 =	simm.s32 $0x1BFF;
	s21 =	sshll.u32 s7, $0x1;
	s4 =	sadd.s32 s5, s19  }
0x9d: {  	s8 =	simm.s32 $0x0;
	s20 =	sshll.u32 s6, $0x1;
	s6 =	sadd.s32 s21, s4  }
0x9e: {  	[timem:s8], [sflag:s22] =	dma.local [hbm:s6], s20  }
0x9f: {  	_ =	swait.ge [sflag:s22], s20  }
0xa0: {  	s5 =	ssub.s32 $0x0, s20;
	[sflag:s22] =	ssyncset.done $0x0  }
0xa1: {  	[sflag:s22] =	ssyncadd.s32 s5;
	_ =	sdelay $0x1  }
0xa2: {  	s23 =	simm.s32 $0x1B8B  }
0xa3: {  	_ =	swait.ge [sflag:s23], $0x1  }
0xa4: {  	[sflag:s23] =	ssyncset.done $0x0  }
0xa5: {  	s25 =	simm.s32 $0x1B8E;
	s24 =	sld [smem:$0x3FFE];
	[sflag:s23] =	ssyncadd.s32 $0xFFFFFFFF  }
0xa6: {  	s26 =	simm.s32 $execute0_lowered;
	[smem:$0x3FD2] =	sst s25  }
0xa7: {  	s6 =	sshll.u32 s26, $0x1;
	_ =	strace $0x80000046;
	[dreg:$0x1] =	wrdreg $0xFFFFFFFF  }
0xa8: {  	s28 =	simm.s32 $_size_execute0_lowered;
	s4 =	sadd.s32 s4, s6;
	[dreg:$0x0] =	wrdreg $0x0  }
0xa9: {  	s6 =	sshll.u32 s28, $0x1;
	[dreg:$0x2] =	wrdreg s4  }
0xaa: {  	[dreg:$0x3] =	wrdreg s6  }
0xab: {  	[dreg:$0x4] =	wrdreg $0xC0  }
0xac: {  	_ =	task [dreg:s8], $0x5FFFF  }
0xad: {  	[dreg:$0x1] =	wrdreg $0xFFFFFFFF  }
0xae: {  	[dreg:$0x0] =	wrdreg $0x60  }
0xaf: {  	[dreg:$0x2] =	wrdreg s2  }
0xb0: {  	[dreg:$0x3] =	wrdreg s24  }
0xb1: {  	[dreg:$0x4] =	wrdreg s18  }
0xb2: {  	[dreg:$0x5] =	wrdreg $0x9  }
0xb3: {  	_ =	task.clear_ibuf [dreg:s8], $0x6FFFF;
	_ =	strace $0x90000046  }
0xb4: {  	s29 =	simm.s32 $0x9;
	_ =	strace $0x80000048  }
0xb5: {  	_ =	swait.ge [sflag:s29], $0x1  }
0xb6: {  	[sflag:s29] =	ssyncadd.s32 $0xFFFFFFFF  }
0xb7: {  	_ =	strace $0x90000048  }
0xb8: {  	_ =	sfence  }
0xb9: {  	s30 =	sld [smem:$0x0];
	_ =	sdelay $0x2  }
0xba: {  	s31 =	sshll.u32 s1, $0xD;
	s1 =	sshrl.u32 s1, $0x2  }
0xbb: {  	s3 =	sand.u32 $0x4000, s31;
	s1 =	sadd.s32 s1, s30  }
0xbc: {  	s0 =	sor.u32 s3, s0;
	s1 =	sshll.u32 s1, $0x11  }
0xbd: {  	s0 =	sor.u32 s1, s0  }
0xbe: {  	s0 =	sadd.s32 $0x8F2B, s0  }
0xbf: {  	[sflag:s0] =	ssyncadd.remote.s32 $0x1  }
0xc0: {  	_ =	sfence.sel $0xFFFF  }
0xc1: {  	[dreg:$0x0] =	wrdreg $0xFFFFFFFF;
	(pc) =	sbr.abs _section_cstart, $3  }
0xc2: {  	[dreg:$0x1] =	wrdreg $0xFFFFFFFF  }
0xc3: {  	_ =	task.clear_ibuf [dreg:s8], $0x2FFFF;
	_ =	strace $0x9FFFFFFF  }
0xc4: {  	(tm) =	ssettm $0x7FFFFFFF  }
0xc5: {  	_ =	shalt  }
tec
execute0_lowered:
.L_overlay_start_1:
0x0: {  	(tag) =	ssettag $0x1  }
0x1: {  	s4 =	rddreg [dreg:$0x0]  }
0x2: {  	s1 =	srdreg.scid;
	s5 =	rddreg [dreg:$0x1]  }
0x3: {  	s0 =	stileid.u32;
	s2 =	rddreg [dreg:$0x2];
	s17 =	simm.s32 $0x880  }
0x4: {  	s18 =	simm.s32 $0x1080;
	s19 =	simm.s32 $0x1880;
	s21 =	simm.s32 $0x2080  }
0x5: {  	s22 =	simm.s32 $0x2880;
	s23 =	simm.s32 $0x3080;
	s24 =	simm.s32 $0x3880  }
0x6: {  	s8 =	simm.s32 $0x4080;
	s25 =	simm.s32 $0x4880;
	s1 =	sand.u32 $0x1, s1  }
0x7: {  	s26 =	simm.s32 $0x5080;
	s3 =	sshll.u32 s0, $0x7;
	s6 =	sshll.u32 s1, $0x6  }
0x8: {  	s9 =	simm.s32 $0x80;
	s6 =	sor.u32 s6, s3;
	s3 =	simm.s32 $0x0  }
0x9: {  	s11 =	simm.s32 $0x6080;
	s12 =	simm.s32 $0x6880;
	[smem:$0x7FF] =	sst s3  }
0xa: {  	s13 =	simm.s32 $0x7080;
	_ =	strace $0x80000047;
	[dreg:$0x6] =	wrdreg s17  }
0xb: {  	s14 =	simm.s32 $0x7880;
	s15 =	simm.s32 $0x8080;
	[dreg:$0x7] =	wrdreg s18  }
0xc: {  	s16 =	simm.s32 $0x8880;
	s28 =	simm.s32 $0xE080;
	[dreg:$0x8] =	wrdreg s19  }
0xd: {  	s29 =	simm.s32 $0xE880;
	s30 =	simm.s32 $0xF080;
	[dreg:$0x9] =	wrdreg s21  }
0xe: {  	s31 =	simm.s32 $0xF880;
	s1 =	ssub.s32 $0x2, s1;
	[dreg:$0xa] =	wrdreg s22  }
0xf: {  	s20 =	sshrl.u32 s1, $0x1;
	s7 =	sshrl.u32 s6, $0x3;
	[dreg:$0xb] =	wrdreg s23  }
0x10: {  	s6 =	sshll.u32 s6, $0x7;
	s1 =	ssub.s32 s1, s20;
	[dreg:$0xc] =	wrdreg s24  }
0x11: {  	s20 =	simm.s32 $0xA880;
	s5 =	sadd.s32 s7, s5;
	[dreg:$0xd] =	wrdreg s8  }
0x12: {  	s4 =	sadd.s32 s4, s6;
	s6 =	sadd.s32 $0x300, s2;
	[dreg:$0xe] =	wrdreg s25  }
0x13: {  	s7 =	smax.u32 s1, $0x1;
	s8 =	simm.s32 $0x2;
	[dreg:$0xf] =	wrdreg s26  }
0x14: {  	s17 =	simm.s32 $0x9080;
	s18 =	simm.s32 $0x9880;
	s19 =	simm.s32 $0xA080  }
0x15: {  	s21 =	simm.s32 $0xB080;
	s22 =	simm.s32 $0xB880;
	s23 =	simm.s32 $0xC080  }
0x16: {  	v2 =	vlaneseq.u32;
	s24 =	simm.s32 $0xC880;
	s25 =	simm.s32 $0xD080;
	s26 =	simm.s32 $0xD880  }
0x17: {  	vm0 =	vmmov $0xffff;
	v1 =	vshrl.u32 v2, $0x3;
	s1 =	simm.s32 $0x1;
	s5 =	sadd.s32 $0x1600, s5;
	[dreg:$0x5] =	wrdreg s4  }
0x18: {  	v0 =	vand.u32 $0x7, v2;
	v2 =	vor.u32 $0x8, v2;
	v1 =	vmul.u32 $0x8, v1;
	s4 =	sadd.s32 $0x100, s2;
	[dreg:$0x4] =	wrdreg s5;
	s5 =	sadd.s32 $0x200, s2  }
.LBB2_1:
0x19: {  	s0 =	rddreg [dreg:$0x4]  }
0x1a: {  	[tilespmem:s3], [sflag:$0x2] =	stream.linear.gather [hbm4b:s0+s3], $0x40, $0x38;
	[tilespmem:$0x10080] =	vst v63  }
0x1b: {  	_ =	swait.ge [sflag:s8], $0x40  }
0x1c: {  	[sflag:s8] =	ssyncset.done $0x0  }
0x1d: {  	s10 =	rddreg [dreg:$0x5];
	[sflag:s8] =	ssyncadd.s32 $0xFFFFFFC0  }
0x1e: {  	[tilespmem:s9], [sflag:$0x2] =	stream.linear.gather [hbm4b:s10+s3], $0x10000, $0x38;
	[tilespmem:$0x10080] =	vst v63  }
0x1f: {  	_ =	swait.ge [sflag:s8], $0x10000  }
0x20: {  	[sflag:s8] =	ssyncset.done $0x0  }
0x21: {  	[sflag:s8] =	ssyncadd.s32 $0xFFFF0000  }
0x22: {  	v3 =	vld [tilespmem:$0x0];
	_ =	sdelay $0x4  }
0x23: {  	v4 =	vshll.u32 v3, $0x3  }
0x24: {  	v3 =	vand.u32 $0x7, v3;
	v4 =	vand.u32 $0xFFFFFFC0, v4  }
0x25: {  	v3 =	vor.u32 v3, v4  }
0x26: {  	v4 =	vperm.xlane v3, v0;
	_ =	sdelay $0x1  }
0x27: {  	v4 =	vadd.s32 v1, v4;
	_ =	sdelay $0x4  }
0x28: {  	[hbm4b:s2+s3] =	stream.indirect_vreg.scatter [tilespmem:s9], [sflag:$0x1], $0x80, v4, vm0, $0xb8;
	[tilespmem:$0x10080] =	vst v63  }
0x29: {  	s0 =	rddreg [dreg:$0x6];
	v3 =	vperm.xlane v3, v2  }
0x2a: {  	[hbm4b:s4+s3] =	stream.indirect_vreg.scatter [tilespmem:s0], [sflag:$0x1], $0x80, v4, vm0, $0xb8;
	[tilespmem:$0x10080] =	vst v63  }
0x2b: {  	s10 =	rddreg [dreg:$0x7];
	v3 =	vadd.s32 v1, v3  }
0x2c: {  	[hbm4b:s5+s3] =	stream.indirect_vreg.scatter [tilespmem:s10], [sflag:$0x1], $0x80, v4, vm0, $0xb8;
	[tilespmem:$0x10080] =	vst v63  }
0x2d: {  	s0 =	rddreg [dreg:$0x8]  }
0x2e: {  	[hbm4b:s6+s3] =	stream.indirect_vreg.scatter [tilespmem:s0], [sflag:$0x1], $0x80, v4, vm0, $0xb8;
	[tilespmem:$0x10080] =	vst v63  }
0x2f: {  	s10 =	rddreg [dreg:$0x9]  }
0x30: {  	[hbm4b:s2+s3] =	stream.indirect_vreg.scatter [tilespmem:s10], [sflag:$0x1], $0x80, v3, vm0, $0xb8;
	[tilespmem:$0x10080] =	vst v63  }
0x31: {  	s0 =	rddreg [dreg:$0xa]  }
0x32: {  	[hbm4b:s4+s3] =	stream.indirect_vreg.scatter [tilespmem:s0], [sflag:$0x1], $0x80, v3, vm0, $0xb8;
	[tilespmem:$0x10080] =	vst v63  }
0x33: {  	s10 =	rddreg [dreg:$0xb]  }
0x34: {  	[hbm4b:s5+s3] =	stream.indirect_vreg.scatter [tilespmem:s10], [sflag:$0x1], $0x80, v3, vm0, $0xb8;
	[tilespmem:$0x10080] =	vst v63  }
0x35: {  	s0 =	rddreg [dreg:$0xc]  }
0x36: {  	[hbm4b:s6+s3] =	stream.indirect_vreg.scatter [tilespmem:s0], [sflag:$0x1], $0x80, v3, vm0, $0xb8;
	[tilespmem:$0x10080] =	vst v63  }
0x37: {  	v3 =	vld [tilespmem:$0x10];
	_ =	sdelay $0x4  }
0x38: {  	v61 =	vshll.u32 v3, $0x3  }
0x39: {  	v3 =	vand.u32 $0x7, v3;
	v4 =	vand.u32 $0xFFFFFFC0, v61  }
0x3a: {  	v3 =	vor.u32 v3, v4  }
0x3b: {  	v4 =	vperm.xlane v3, v0;
	_ =	sdelay $0x1  }
0x3c: {  	v4 =	vadd.s32 v1, v4;
	_ =	sdelay $0x3  }
0x3d: {  	s0 =	rddreg [dreg:$0xd]  }
0x3e: {  	[hbm4b:s2+s3] =	stream.indirect_vreg.scatter [tilespmem:s0], [sflag:$0x1], $0x80, v4, vm0, $0xb8;
	[tilespmem:$0x10080] =	vst v63  }
0x3f: {  	s10 =	rddreg [dreg:$0xe];
	v3 =	vperm.xlane v3, v2  }
0x40: {  	[hbm4b:s4+s3] =	stream.indirect_vreg.scatter [tilespmem:s10], [sflag:$0x1], $0x80, v4, vm0, $0xb8;
	[tilespmem:$0x10080] =	vst v63  }
0x41: {  	v3 =	vadd.s32 v1, v3;
	s0 =	rddreg [dreg:$0xf]  }
0x42: {  	[hbm4b:s5+s3] =	stream.indirect_vreg.scatter [tilespmem:s0], [sflag:$0x1], $0x80, v4, vm0, $0xb8;
	[tilespmem:$0x10080] =	vst v63  }
0x43: {  	s10 =	simm.s32 $0x5880  }
0x44: {  	[hbm4b:s6+s3] =	stream.indirect_vreg.scatter [tilespmem:s10], [sflag:$0x1], $0x80, v4, vm0, $0xb8;
	[tilespmem:$0x10080] =	vst v63  }
0x45: {  	_ = 	snop  }
0x46: {  	[hbm4b:s2+s3] =	stream.indirect_vreg.scatter [tilespmem:s11], [sflag:$0x1], $0x80, v3, vm0, $0xb8;
	[tilespmem:$0x10080] =	vst v63  }
0x47: {  	_ = 	snop  }
0x48: {  	[hbm4b:s4+s3] =	stream.indirect_vreg.scatter [tilespmem:s12], [sflag:$0x1], $0x80, v3, vm0, $0xb8;
	[tilespmem:$0x10080] =	vst v63  }
0x49: {  	_ = 	snop  }
0x4a: {  	[hbm4b:s5+s3] =	stream.indirect_vreg.scatter [tilespmem:s13], [sflag:$0x1], $0x80, v3, vm0, $0xb8;
	[tilespmem:$0x10080] =	vst v63  }
0x4b: {  	_ = 	snop  }
0x4c: {  	[hbm4b:s6+s3] =	stream.indirect_vreg.scatter [tilespmem:s14], [sflag:$0x1], $0x80, v3, vm0, $0xb8;
	[tilespmem:$0x10080] =	vst v63  }
0x4d: {  	v3 =	vld [tilespmem:$0x20];
	_ =	sdelay $0x4  }
0x4e: {  	v62 =	vshll.u32 v3, $0x3  }
0x4f: {  	v3 =	vand.u32 $0x7, v3;
	v4 =	vand.u32 $0xFFFFFFC0, v62  }
0x50: {  	v3 =	vor.u32 v3, v4  }
0x51: {  	v4 =	vperm.xlane v3, v0;
	_ =	sdelay $0x1  }
0x52: {  	v4 =	vadd.s32 v1, v4;
	_ =	sdelay $0x4  }
0x53: {  	[hbm4b:s2+s3] =	stream.indirect_vreg.scatter [tilespmem:s15], [sflag:$0x1], $0x80, v4, vm0, $0xb8;
	[tilespmem:$0x10080] =	vst v63  }
0x54: {  	v3 =	vperm.xlane v3, v2  }
0x55: {  	[hbm4b:s4+s3] =	stream.indirect_vreg.scatter [tilespmem:s16], [sflag:$0x1], $0x80, v4, vm0, $0xb8;
	[tilespmem:$0x10080] =	vst v63  }
0x56: {  	v3 =	vadd.s32 v1, v3  }
0x57: {  	[hbm4b:s5+s3] =	stream.indirect_vreg.scatter [tilespmem:s17], [sflag:$0x1], $0x80, v4, vm0, $0xb8;
	[tilespmem:$0x10080] =	vst v63  }
0x58: {  	_ = 	snop  }
0x59: {  	[hbm4b:s6+s3] =	stream.indirect_vreg.scatter [tilespmem:s18], [sflag:$0x1], $0x80, v4, vm0, $0xb8;
	[tilespmem:$0x10080] =	vst v63  }
0x5a: {  	_ = 	snop  }
0x5b: {  	[hbm4b:s2+s3] =	stream.indirect_vreg.scatter [tilespmem:s19], [sflag:$0x1], $0x80, v3, vm0, $0xb8;
	[tilespmem:$0x10080] =	vst v63  }
0x5c: {  	_ = 	snop  }
0x5d: {  	[hbm4b:s4+s3] =	stream.indirect_vreg.scatter [tilespmem:s20], [sflag:$0x1], $0x80, v3, vm0, $0xb8;
	[tilespmem:$0x10080] =	vst v63  }
0x5e: {  	_ = 	snop  }
0x5f: {  	[hbm4b:s5+s3] =	stream.indirect_vreg.scatter [tilespmem:s21], [sflag:$0x1], $0x80, v3, vm0, $0xb8;
	[tilespmem:$0x10080] =	vst v63  }
0x60: {  	_ = 	snop  }
0x61: {  	[hbm4b:s6+s3] =	stream.indirect_vreg.scatter [tilespmem:s22], [sflag:$0x1], $0x80, v3, vm0, $0xb8;
	[tilespmem:$0x10080] =	vst v63  }
0x62: {  	v3 =	vld [tilespmem:$0x30];
	_ =	sdelay $0x4  }
0x63: {  	v63 =	vshll.u32 v3, $0x3  }
0x64: {  	v3 =	vand.u32 $0x7, v3;
	v4 =	vand.u32 $0xFFFFFFC0, v63  }
0x65: {  	v3 =	vor.u32 v3, v4  }
0x66: {  	v4 =	vperm.xlane v3, v0;
	_ =	sdelay $0x1  }
0x67: {  	v4 =	vadd.s32 v1, v4;
	_ =	sdelay $0x4  }
0x68: {  	[hbm4b:s2+s3] =	stream.indirect_vreg.scatter [tilespmem:s23], [sflag:$0x1], $0x80, v4, vm0, $0xb8;
	[tilespmem:$0x10080] =	vst v63  }
0x69: {  	v3 =	vperm.xlane v3, v2  }
0x6a: {  	[hbm4b:s4+s3] =	stream.indirect_vreg.scatter [tilespmem:s24], [sflag:$0x1], $0x80, v4, vm0, $0xb8;
	[tilespmem:$0x10080] =	vst v63  }
0x6b: {  	v3 =	vadd.s32 v1, v3  }
0x6c: {  	[hbm4b:s5+s3] =	stream.indirect_vreg.scatter [tilespmem:s25], [sflag:$0x1], $0x80, v4, vm0, $0xb8;
	[tilespmem:$0x10080] =	vst v63  }
0x6d: {  	_ = 	snop  }
0x6e: {  	[hbm4b:s6+s3] =	stream.indirect_vreg.scatter [tilespmem:s26], [sflag:$0x1], $0x80, v4, vm0, $0xb8;
	[tilespmem:$0x10080] =	vst v63  }
0x6f: {  	_ = 	snop  }
0x70: {  	[hbm4b:s2+s3] =	stream.indirect_vreg.scatter [tilespmem:s28], [sflag:$0x1], $0x80, v3, vm0, $0xb8;
	[tilespmem:$0x10080] =	vst v63  }
0x71: {  	_ = 	snop  }
0x72: {  	[hbm4b:s4+s3] =	stream.indirect_vreg.scatter [tilespmem:s29], [sflag:$0x1], $0x80, v3, vm0, $0xb8;
	[tilespmem:$0x10080] =	vst v63  }
0x73: {  	p0 =	sne.s32 s7, $0x1  }
0x74: {  	[hbm4b:s5+s3] =	stream.indirect_vreg.scatter [tilespmem:s30], [sflag:$0x1], $0x80, v3, vm0, $0xb8;
	[tilespmem:$0x10080] =	vst v63  }
.Ltmp0:
0x75: {  	_ = 	snop;
	(pc) =	sbr.rel @p0 .LBB2_1-.Ltmp0, $4  }
0x76: {  	[hbm4b:s6+s3] =	stream.indirect_vreg.scatter [tilespmem:s31], [sflag:$0x1], $0x80, v3, vm0, $0xb8;
	[tilespmem:$0x10080] =	vst v63  }
0x77: {  	_ =	swait.ge [sflag:s1], $0x10000  }
0x78: {  	[sflag:s1] =	ssyncset.done $0x0  }
0x79: {  	s7 =	sadd.s32 $0xFFFFFFFF, s7;
	[sflag:s1] =	ssyncadd.s32 $0xFFFF0000  }
0x7a: {  	_ =	sfence.sel $0x180000  }
0x7b: {  	[bflag:$0x0] =	sbarrier.arrive $0xFFFF  }
0x7c: {  	_ =	strace $0x90000047  }
0x7d: {  	s0 =	stileid.u32;
	[bflag:$0x2] =	sbarrier.arrive $0xFFFF  }
0x7e: {  	p0 =	sne.s32 s0, $0x0;
	s0 =	rddreg [dreg:$0x3]  }
0x7f: {  	s0 =	sadd.s32 @!p0 $0x100000, s0  }
0x80: {  	[sflag:s0] =	ssyncadd.tile.s32 @!p0 $0x1;
	_ =	shalt  }
.Lfunc_end2:
_tile_overlayer_lowered:
.L_overlay_start_2:
0x81: {  	(tag) =	ssettag $0x2  }
0x82: {  	s0 =	rddreg [dreg:$0x0];
	s2 =	stileid.u32  }
0x83: {  	s1 =	rddreg [dreg:$0x1];
	p0 =	sne.s32 s2, $0x0  }
0x84: {  	s3 =	rddreg [dreg:$0x2];
	[bflag:$0x3] =	sbarrier.arrive $0xFFFF;
	s2 =	simm.s32 @!p0 $0x1C02  }
0x85: {  	[timem:s3], [sflag:s2] =	dma.local @!p0 [hbm:s0], s1  }
0x86: {  	s0 =	simm.s32 @!p0 $0x2  }
0x87: {  	_ =	swait.ge @!p0 [sflag:s0], s1  }
0x88: {  	s1 =	ssub.s32 @!p0 $0x0, s1;
	[sflag:s0] =	ssyncset.done @!p0 $0x0  }
0x89: {  	[sflag:s0] =	ssyncadd.s32 @!p0 s1  }
0x8a: {  	[bflag:$0x3] =	sbarrier.arrive $0xFFFF  }
0x8b: {  	_ =	shalt  }

// kernel: kernel.9.cloned.1.call-start
scs
__scs_entry_jumppad:
0x0: {  	(pc) =	sbr.rel $0x88, $3  }
0x1: {  	(tag) =	ssettag $0x0;
	lr =	simm.s32 $0x1  }
0x2: {  	[smem:$0x3F99] =	sst lr;
	_ =	strace $0xD0000000  }
0x3: {  	_ = 	snop  }
0x4: {  	_ = 	snop  }
0x5: {  	_ = 	snop  }
0x6: {  	_ = 	snop  }
0x7: {  	_ = 	snop  }
__scs_overlays_trampoline_lowered:
0x8: {  	[smem:$0x3FA8] =	sst s0  }
0x9: {  	[smem:$0x3FA9] =	sst s1  }
0xa: {  	[smem:$0x3FAA] =	sst s2  }
0xb: {  	[smem:$0x3FAB] =	sst s3  }
0xc: {  	[smem:$0x3FAC] =	sst s4  }
0xd: {  	[smem:$0x3FAD] =	sst s5  }
0xe: {  	[smem:$0x3FAE] =	sst s6  }
0xf: {  	[smem:$0x3FAF] =	sst s7  }
0x10: {  	[smem:$0x3FB0] =	sst s8  }
0x11: {  	[smem:$0x3FB1] =	sst s9;
	s0 =	simm.s32 @!p0 $0x0  }
0x12: {  	s1 =	sld [smem:$0x3F97];
	s0 =	simm.s32 @p0 $0x1  }
0x13: {  	[smem:$0x3FB2] =	sst s0;
	s0 =	simm.s32 @!p1 $0x0  }
0x14: {  	s2 =	sld [smem:$0x3F96];
	s0 =	simm.s32 @p1 $0x1  }
0x15: {  	[smem:$0x3FB3] =	sst s0;
	s0 =	simm.s32 @!p2 $0x0  }
0x16: {  	s3 =	sld [smem:$0x3FDB];
	s0 =	simm.s32 @p2 $0x1  }
0x17: {  	s4 =	simm.s32 $0x1BF5;
	[smem:$0x3FB5] =	sst s0  }
0x18: {  	s0 =	sld [smem:$0x3F98];
	_ =	swait.ge [sflag:s4], $0x0  }
0x19: {  	s7 =	sld [smem:$0x3F99]  }
0x1a: {  	s8 =	sadd.s32 $0xFFFFE003, lr  }
0x1b: {  	s9 =	sadd.s32 $0xFFFFFEF7, lr;
	s5 =	simm.s32 $0xFFFFFFFF;
	p2 =	slt.u32 s8, $0xFFFFF086  }
0x1c: {  	p1 =	slt.u32 s9, $0xF7A;
	s5 =	simm.s32 @!p2 $0x0  }
0x1d: {  	s5 =	simm.s32 @p1 $0x1;
	p0 =	seq.s32 s7, s2  }
0x1e: {  	s7 =	smul.u32 @!p0 $0xF7A, s2;
	p2 =	seq.s32 @!p0 s5, $0x0  }
0x1f: {  	s9 =	smul.u32 $0xF7A, s1;
	s8 =	simm.s32 @!p0 $0x1BF5;
	p2 =	por !p2, p0  }
0x20: {  	[sflag:s8] =	ssyncset.s32 @!p0 $0xFFFFF086;
	s6 =	sadd.s32 @!p0 s3, s7;
	s7 =	simm.s32 @!p0 $0x108  }
0x21: {  	s3 =	sadd.s32 s3, s9;
	s6 =	sadd.s32 @!p0 $0x88, s6;
	s7 =	simm.s32 @p2 $0x1082  }
0x22: {  	[simem:s7], [sflag:s8] =	dma.local @!p0 [hbm:s6], $0xF7A  }
0x23: {  	s9 =	sor.u32 $0xD0000000, s2;
	s6 =	simm.s32 $0x108;
	_ =	swait.ge @!p0 [sflag:s8], $0x0  }
0x24: {  	s3 =	sadd.s32 $0x88, s3;
	s6 =	simm.s32 @!p1 $0x1082;
	[sflag:s4] =	ssyncset.s32 $0xFFFFF086  }
0x25: {  	[simem:s6], [sflag:s4] =	dma.local [hbm:s3], $0xF7A  }
0x26: {  	[smem:$0x3F99] =	sst s1;
	(tag) =	ssettag s2;
	_ =	strace s9  }
0x27: {  	s1 =	sld [smem:$0x3FA9]  }
0x28: {  	s2 =	sld [smem:$0x3FAA]  }
0x29: {  	s4 =	sld [smem:$0x3FAC]  }
0x2a: {  	p0 =	seq.s32 s5, $0x0;
	s5 =	sld [smem:$0x3FAD]  }
0x2b: {  	s6 =	sld [smem:$0x3FAE]  }
0x2c: {  	s7 =	sld [smem:$0x3FAF]  }
0x2d: {  	s3 =	simm.s32 $0x108;
	s8 =	sld [smem:$0x3FB0]  }
0x2e: {  	s3 =	simm.s32 @!p0 $0x1082;
	s9 =	sld [smem:$0x3FB1]  }
0x2f: {  	lr =	sadd.s32 s0, s3;
	s0 =	sld [smem:$0x3FA8]  }
0x30: {  	s3 =	sld [smem:$0x3FAB]  }
0x31: {  	[smem:$0x3FB4] =	sst s10  }
0x32: {  	s10 =	sld [smem:$0x3FB2];
	_ =	sdelay $0x3  }
0x33: {  	p0 =	seq.s32 s10, $0x1;
	s10 =	sld [smem:$0x3FB4];
	_ =	sdelay $0x3  }
0x34: {  	[smem:$0x3FB4] =	sst s10  }
0x35: {  	s10 =	sld [smem:$0x3FB3];
	_ =	sdelay $0x3  }
0x36: {  	p1 =	seq.s32 s10, $0x1;
	s10 =	sld [smem:$0x3FB4];
	_ =	sdelay $0x3  }
0x37: {  	[smem:$0x3FB4] =	sst s10  }
0x38: {  	s10 =	sld [smem:$0x3FB5]  }
0x39: {  	_ = 	snop;
	(pc) =	sbr.ind lr, $3  }
0x3a: {  	_ = 	snop  }
0x3b: {  	_ = 	snop  }
0x3c: {  	p2 =	seq.s32 s10, $0x1;
	s10 =	sld [smem:$0x3FB4]  }
0x3d: {  	_ =	shalt  }
0x3e: {  	_ =	shalt  }
0x3f: {  	_ =	shalt  }
0x40: {  	_ =	shalt  }
0x41: {  	_ =	shalt  }
0x42: {  	_ =	shalt  }
0x43: {  	_ =	shalt  }
0x44: {  	_ =	shalt  }
0x45: {  	_ =	shalt  }
0x46: {  	_ =	shalt  }
0x47: {  	_ =	shalt  }
0x48: {  	_ =	shalt  }
0x49: {  	_ =	shalt  }
0x4a: {  	_ =	shalt  }
0x4b: {  	_ =	shalt  }
0x4c: {  	_ =	shalt  }
0x4d: {  	_ =	shalt  }
0x4e: {  	_ =	shalt  }
0x4f: {  	_ =	shalt  }
0x50: {  	_ =	shalt  }
0x51: {  	_ =	shalt  }
0x52: {  	_ =	shalt  }
0x53: {  	_ =	shalt  }
0x54: {  	_ =	shalt  }
0x55: {  	_ =	shalt  }
0x56: {  	_ =	shalt  }
0x57: {  	_ =	shalt  }
0x58: {  	_ =	shalt  }
0x59: {  	_ =	shalt  }
0x5a: {  	_ =	shalt  }
0x5b: {  	_ =	shalt  }
0x5c: {  	_ =	shalt  }
0x5d: {  	_ =	shalt  }
0x5e: {  	_ =	shalt  }
0x5f: {  	_ =	shalt  }
0x60: {  	_ =	shalt  }
0x61: {  	_ =	shalt  }
0x62: {  	_ =	shalt  }
0x63: {  	_ =	shalt  }
0x64: {  	_ =	shalt  }
0x65: {  	_ =	shalt  }
0x66: {  	_ =	shalt  }
0x67: {  	_ =	shalt  }
0x68: {  	_ =	shalt  }
0x69: {  	_ =	shalt  }
0x6a: {  	_ =	shalt  }
0x6b: {  	_ =	shalt  }
0x6c: {  	_ =	shalt  }
0x6d: {  	_ =	shalt  }
0x6e: {  	_ =	shalt  }
0x6f: {  	_ =	shalt  }
0x70: {  	_ =	shalt  }
0x71: {  	_ =	shalt  }
0x72: {  	_ =	shalt  }
0x73: {  	_ =	shalt  }
0x74: {  	_ =	shalt  }
0x75: {  	_ =	shalt  }
0x76: {  	_ =	shalt  }
0x77: {  	_ =	shalt  }
0x78: {  	_ =	shalt  }
0x79: {  	_ =	shalt  }
0x7a: {  	_ =	shalt  }
0x7b: {  	_ =	shalt  }
0x7c: {  	_ =	shalt  }
0x7d: {  	_ =	shalt  }
0x7e: {  	_ =	shalt  }
0x7f: {  	_ =	shalt  }
0x80: {  	_ =	shalt  }
0x81: {  	_ =	shalt  }
0x82: {  	_ =	shalt  }
0x83: {  	_ =	shalt  }
0x84: {  	_ =	shalt  }
0x85: {  	_ =	shalt  }
0x86: {  	_ =	shalt  }
0x87: {  	_ =	shalt  }
.Lfunc_end0:
.L_simem_size_0:
called_computation.1_lowered:
.L_overlay_start_0:
0x88: {  	s2 =	sld [smem:$0x3FD9]  }
0x89: {  	s3 =	sld [smem:$0x3FFE];
	_ =	sdelay $0x1  }
0x8a: {  	s1 =	srdreg.scid  }
0x8b: {  	s0 =	sand.u32 $0x1, s1  }
0x8c: {  	s17 =	sshll.u32 s0, $0xA;
	s2 =	sadd.s32 s3, s2  }
0x8d: {  	s2 =	sadd.s32 s2, s17  }
0x8e: {  	[smem:$0x3FC0] =	sst s2  }
0x8f: {  	_ = 	snop  }
0x90: {  	s2 =	sld [smem:$0x3FD0];
	(tm) =	ssettm $0x1  }
0x91: {  	s18 =	sld [smem:$0x3FFB];
	_ =	sdelay $0x3  }
0x92: {  	_ =	strace s18  }
0x93: {  	s3 =	sld [smem:$0x3FFC];
	_ =	sdelay $0x3  }
0x94: {  	_ =	strace s3  }
0x95: {  	s3 =	sld [smem:$0x3FFD];
	_ =	sdelay $0x3  }
0x96: {  	_ =	strace s3  }
0x97: {  	_ =	strace $0x8FFFFFFF  }
0x98: {  	s19 =	sld [smem:$0x3FDB];
	_ =	sdelay $0x1  }
0x99: {  	s4 =	simm.s32 $_scs_section_size  }
0x9a: {  	s5 =	simm.s32 $_size__tile_overlayer_lowered;
	s6 =	simm.s32 $_tile_overlayer_lowered  }
0x9b: {  	s22 =	simm.s32 $0x1BFF;
	s21 =	sshll.u32 s6, $0x1;
	s3 =	sadd.s32 s4, s19  }
0x9c: {  	s7 =	simm.s32 $0x0;
	s20 =	sshll.u32 s5, $0x1;
	s5 =	sadd.s32 s21, s3  }
0x9d: {  	[timem:s7], [sflag:s22] =	dma.local [hbm:s5], s20  }
0x9e: {  	_ =	swait.ge [sflag:s22], s20  }
0x9f: {  	s4 =	ssub.s32 $0x0, s20;
	[sflag:s22] =	ssyncset.done $0x0  }
0xa0: {  	[sflag:s22] =	ssyncadd.s32 s4;
	_ =	sdelay $0x1  }
0xa1: {  	s23 =	simm.s32 $0x1B8B  }
0xa2: {  	_ =	swait.ge [sflag:s23], $0x1  }
0xa3: {  	[sflag:s23] =	ssyncset.done $0x0  }
0xa4: {  	s25 =	simm.s32 $0x1B8E;
	s24 =	sld [smem:$0x3FFE];
	[sflag:s23] =	ssyncadd.s32 $0xFFFFFFFF  }
0xa5: {  	s26 =	simm.s32 $execute0_lowered;
	[smem:$0x3FD2] =	sst s25  }
0xa6: {  	s5 =	sshll.u32 s26, $0x1;
	_ =	strace $0x80000049;
	[dreg:$0x1] =	wrdreg $0xFFFFFFFF  }
0xa7: {  	s28 =	simm.s32 $_size_execute0_lowered;
	s3 =	sadd.s32 s3, s5;
	[dreg:$0x0] =	wrdreg $0x0  }
0xa8: {  	s5 =	sshll.u32 s28, $0x1;
	[dreg:$0x2] =	wrdreg s3  }
0xa9: {  	[dreg:$0x3] =	wrdreg s5  }
0xaa: {  	[dreg:$0x4] =	wrdreg $0xC0  }
0xab: {  	_ =	task [dreg:s7], $0x5FFFF  }
0xac: {  	[dreg:$0x1] =	wrdreg $0xFFFFFFFF  }
0xad: {  	[dreg:$0x0] =	wrdreg $0x60  }
0xae: {  	[dreg:$0x2] =	wrdreg s24  }
0xaf: {  	[dreg:$0x3] =	wrdreg s2  }
0xb0: {  	[dreg:$0x4] =	wrdreg $0x9  }
0xb1: {  	_ =	task.clear_ibuf [dreg:s7], $0x5FFFF;
	_ =	strace $0x90000049  }
0xb2: {  	s29 =	simm.s32 $0x9;
	_ =	strace $0x8000004B  }
0xb3: {  	_ =	swait.ge [sflag:s29], $0x1  }
0xb4: {  	[sflag:s29] =	ssyncadd.s32 $0xFFFFFFFF  }
0xb5: {  	_ =	strace $0x9000004B  }
0xb6: {  	_ =	sfence  }
0xb7: {  	s30 =	sld [smem:$0x0];
	_ =	sdelay $0x2  }
0xb8: {  	s31 =	sshll.u32 s1, $0xD;
	s1 =	sshrl.u32 s1, $0x2  }
0xb9: {  	s3 =	sand.u32 $0x4000, s31;
	s1 =	sadd.s32 s1, s30  }
0xba: {  	s0 =	sor.u32 s3, s0;
	s1 =	sshll.u32 s1, $0x11  }
0xbb: {  	s0 =	sor.u32 s1, s0  }
0xbc: {  	s0 =	sadd.s32 $0x8F2B, s0  }
0xbd: {  	[sflag:s0] =	ssyncadd.remote.s32 $0x1  }
0xbe: {  	_ =	sfence.sel $0xFFFF  }
0xbf: {  	[dreg:$0x0] =	wrdreg $0xFFFFFFFF;
	(pc) =	sbr.abs _section_cstart, $3  }
0xc0: {  	[dreg:$0x1] =	wrdreg $0xFFFFFFFF  }
0xc1: {  	_ =	task.clear_ibuf [dreg:s7], $0x2FFFF;
	_ =	strace $0x9FFFFFFF  }
0xc2: {  	(tm) =	ssettm $0x7FFFFFFF  }
0xc3: {  	_ =	shalt  }
tec
execute0_lowered:
.L_overlay_start_1:
0x0: {  	(tag) =	ssettag $0x1  }
0x1: {  	s1 =	srdreg.scid  }
0x2: {  	s0 =	stileid.u32;
	s6 =	rddreg [dreg:$0x0]  }
0x3: {  	s4 =	rddreg [dreg:$0x1];
	s18 =	simm.s32 $0x880;
	s19 =	simm.s32 $0x1080  }
0x4: {  	s20 =	simm.s32 $0x1880;
	s22 =	simm.s32 $0x2080;
	s23 =	simm.s32 $0x2880  }
0x5: {  	s7 =	simm.s32 $0x3080;
	s24 =	simm.s32 $0x3880;
	s8 =	simm.s32 $0x4080  }
0x6: {  	s25 =	simm.s32 $0x4880;
	s26 =	simm.s32 $0x5080;
	s1 =	sand.u32 $0x1, s1  }
0x7: {  	s9 =	simm.s32 $0x80;
	s2 =	sshll.u32 s0, $0x7;
	s3 =	sshll.u32 s1, $0x6  }
0x8: {  	s11 =	simm.s32 $0x6080;
	s3 =	sor.u32 s3, s2;
	s2 =	simm.s32 $0x0  }
0x9: {  	s12 =	simm.s32 $0x6880;
	s13 =	simm.s32 $0x7080;
	[smem:$0x7FF] =	sst s2  }
0xa: {  	s14 =	simm.s32 $0x7880;
	_ =	strace $0x8000004A;
	[dreg:$0x5] =	wrdreg s18  }
0xb: {  	s15 =	simm.s32 $0x8080;
	s16 =	simm.s32 $0x8880;
	[dreg:$0x6] =	wrdreg s19  }
0xc: {  	s17 =	simm.s32 $0x9080;
	s28 =	simm.s32 $0xE080;
	[dreg:$0x7] =	wrdreg s20  }
0xd: {  	s29 =	simm.s32 $0xE880;
	s30 =	simm.s32 $0xF080;
	[dreg:$0x8] =	wrdreg s22  }
0xe: {  	s31 =	simm.s32 $0xF880;
	s1 =	ssub.s32 $0x2, s1;
	[dreg:$0x9] =	wrdreg s23  }
0xf: {  	s21 =	sshrl.u32 s1, $0x1;
	s5 =	sshrl.u32 s3, $0x3;
	[dreg:$0xa] =	wrdreg s7  }
0x10: {  	s3 =	sshll.u32 s3, $0x7;
	s1 =	ssub.s32 s1, s21;
	[dreg:$0xb] =	wrdreg s24  }
0x11: {  	s21 =	simm.s32 $0xB080;
	s5 =	sadd.s32 s5, s6;
	[dreg:$0xc] =	wrdreg s8  }
0x12: {  	s3 =	sadd.s32 s4, s3;
	s4 =	sadd.s32 $0x1900, s6;
	[dreg:$0xd] =	wrdreg s25  }
0x13: {  	s7 =	smax.u32 s1, $0x1;
	s8 =	simm.s32 $0x2;
	[dreg:$0xe] =	wrdreg s26  }
0x14: {  	s18 =	simm.s32 $0x9880;
	s19 =	simm.s32 $0xA080;
	s20 =	simm.s32 $0xA880  }
0x15: {  	s22 =	simm.s32 $0xB880;
	s23 =	simm.s32 $0xC080;
	s24 =	simm.s32 $0xC880  }
0x16: {  	v2 =	vlaneseq.u32;
	s25 =	simm.s32 $0xD080;
	s26 =	simm.s32 $0xD880;
	s1 =	simm.s32 $0x1  }
0x17: {  	vm0 =	vmmov $0xffff;
	v1 =	vshrl.u32 v2, $0x3;
	s5 =	sadd.s32 $0x1600, s5;
	[dreg:$0x4] =	wrdreg s3;
	s3 =	sadd.s32 $0x1800, s6  }
0x18: {  	v0 =	vand.u32 $0x7, v2;
	v2 =	vor.u32 $0x8, v2;
	v1 =	vmul.u32 $0x8, v1;
	[dreg:$0x3] =	wrdreg s5;
	s5 =	sadd.s32 $0x1A00, s6;
	s6 =	sadd.s32 $0x1B00, s6  }
.LBB2_1:
0x19: {  	s0 =	rddreg [dreg:$0x3]  }
0x1a: {  	[tilespmem:s2], [sflag:$0x2] =	stream.linear.gather [hbm4b:s0+s2], $0x40, $0x38;
	[tilespmem:$0x10080] =	vst v63  }
0x1b: {  	_ =	swait.ge [sflag:s8], $0x40  }
0x1c: {  	[sflag:s8] =	ssyncset.done $0x0  }
0x1d: {  	[sflag:s8] =	ssyncadd.s32 $0xFFFFFFC0  }
0x1e: {  	v3 =	vld [tilespmem:$0x0];
	_ =	sdelay $0x4  }
0x1f: {  	v4 =	vshll.u32 v3, $0x3  }
0x20: {  	v3 =	vand.u32 $0x7, v3;
	v4 =	vand.u32 $0xFFFFFFC0, v4  }
0x21: {  	v3 =	vor.u32 v3, v4  }
0x22: {  	v4 =	vperm.xlane v3, v0;
	_ =	sdelay $0x1  }
0x23: {  	v4 =	vadd.s32 v1, v4;
	_ =	sdelay $0x4  }
0x24: {  	[tilespmem:s9], [sflag:$0x1] =	stream.indirect_vreg.gather [hbm4b:s3+s2], $0x80, v4, vm0, $0xb8;
	[tilespmem:$0x10080] =	vst v63  }
0x25: {  	s0 =	rddreg [dreg:$0x5];
	v3 =	vperm.xlane v3, v2  }
0x26: {  	[tilespmem:s0], [sflag:$0x1] =	stream.indirect_vreg.gather [hbm4b:s4+s2], $0x80, v4, vm0, $0xb8;
	[tilespmem:$0x10080] =	vst v63  }
0x27: {  	s10 =	rddreg [dreg:$0x6];
	v3 =	vadd.s32 v1, v3  }
0x28: {  	[tilespmem:s10], [sflag:$0x1] =	stream.indirect_vreg.gather [hbm4b:s5+s2], $0x80, v4, vm0, $0xb8;
	[tilespmem:$0x10080] =	vst v63  }
0x29: {  	s0 =	rddreg [dreg:$0x7]  }
0x2a: {  	[tilespmem:s0], [sflag:$0x1] =	stream.indirect_vreg.gather [hbm4b:s6+s2], $0x80, v4, vm0, $0xb8;
	[tilespmem:$0x10080] =	vst v63  }
0x2b: {  	s10 =	rddreg [dreg:$0x8]  }
0x2c: {  	[tilespmem:s10], [sflag:$0x1] =	stream.indirect_vreg.gather [hbm4b:s3+s2], $0x80, v3, vm0, $0xb8;
	[tilespmem:$0x10080] =	vst v63  }
0x2d: {  	s0 =	rddreg [dreg:$0x9]  }
0x2e: {  	[tilespmem:s0], [sflag:$0x1] =	stream.indirect_vreg.gather [hbm4b:s4+s2], $0x80, v3, vm0, $0xb8;
	[tilespmem:$0x10080] =	vst v63  }
0x2f: {  	s10 =	rddreg [dreg:$0xa]  }
0x30: {  	[tilespmem:s10], [sflag:$0x1] =	stream.indirect_vreg.gather [hbm4b:s5+s2], $0x80, v3, vm0, $0xb8;
	[tilespmem:$0x10080] =	vst v63  }
0x31: {  	s0 =	rddreg [dreg:$0xb]  }
0x32: {  	[tilespmem:s0], [sflag:$0x1] =	stream.indirect_vreg.gather [hbm4b:s6+s2], $0x80, v3, vm0, $0xb8;
	[tilespmem:$0x10080] =	vst v63  }
0x33: {  	v3 =	vld [tilespmem:$0x10];
	_ =	sdelay $0x4  }
0x34: {  	v61 =	vshll.u32 v3, $0x3  }
0x35: {  	v3 =	vand.u32 $0x7, v3;
	v4 =	vand.u32 $0xFFFFFFC0, v61  }
0x36: {  	v3 =	vor.u32 v3, v4  }
0x37: {  	v4 =	vperm.xlane v3, v0;
	_ =	sdelay $0x1  }
0x38: {  	v4 =	vadd.s32 v1, v4;
	_ =	sdelay $0x3  }
0x39: {  	s0 =	rddreg [dreg:$0xc]  }
0x3a: {  	[tilespmem:s0], [sflag:$0x1] =	stream.indirect_vreg.gather [hbm4b:s3+s2], $0x80, v4, vm0, $0xb8;
	[tilespmem:$0x10080] =	vst v63  }
0x3b: {  	s10 =	rddreg [dreg:$0xd];
	v3 =	vperm.xlane v3, v2  }
0x3c: {  	[tilespmem:s10], [sflag:$0x1] =	stream.indirect_vreg.gather [hbm4b:s4+s2], $0x80, v4, vm0, $0xb8;
	[tilespmem:$0x10080] =	vst v63  }
0x3d: {  	v3 =	vadd.s32 v1, v3;
	s0 =	rddreg [dreg:$0xe]  }
0x3e: {  	[tilespmem:s0], [sflag:$0x1] =	stream.indirect_vreg.gather [hbm4b:s5+s2], $0x80, v4, vm0, $0xb8;
	[tilespmem:$0x10080] =	vst v63  }
0x3f: {  	s10 =	simm.s32 $0x5880  }
0x40: {  	[tilespmem:s10], [sflag:$0x1] =	stream.indirect_vreg.gather [hbm4b:s6+s2], $0x80, v4, vm0, $0xb8;
	[tilespmem:$0x10080] =	vst v63  }
0x41: {  	_ = 	snop  }
0x42: {  	[tilespmem:s11], [sflag:$0x1] =	stream.indirect_vreg.gather [hbm4b:s3+s2], $0x80, v3, vm0, $0xb8;
	[tilespmem:$0x10080] =	vst v63  }
0x43: {  	_ = 	snop  }
0x44: {  	[tilespmem:s12], [sflag:$0x1] =	stream.indirect_vreg.gather [hbm4b:s4+s2], $0x80, v3, vm0, $0xb8;
	[tilespmem:$0x10080] =	vst v63  }
0x45: {  	_ = 	snop  }
0x46: {  	[tilespmem:s13], [sflag:$0x1] =	stream.indirect_vreg.gather [hbm4b:s5+s2], $0x80, v3, vm0, $0xb8;
	[tilespmem:$0x10080] =	vst v63  }
0x47: {  	_ = 	snop  }
0x48: {  	[tilespmem:s14], [sflag:$0x1] =	stream.indirect_vreg.gather [hbm4b:s6+s2], $0x80, v3, vm0, $0xb8;
	[tilespmem:$0x10080] =	vst v63  }
0x49: {  	v3 =	vld [tilespmem:$0x20];
	_ =	sdelay $0x4  }
0x4a: {  	v62 =	vshll.u32 v3, $0x3  }
0x4b: {  	v3 =	vand.u32 $0x7, v3;
	v4 =	vand.u32 $0xFFFFFFC0, v62  }
0x4c: {  	v3 =	vor.u32 v3, v4  }
0x4d: {  	v4 =	vperm.xlane v3, v0;
	_ =	sdelay $0x1  }
0x4e: {  	v4 =	vadd.s32 v1, v4;
	_ =	sdelay $0x4  }
0x4f: {  	[tilespmem:s15], [sflag:$0x1] =	stream.indirect_vreg.gather [hbm4b:s3+s2], $0x80, v4, vm0, $0xb8;
	[tilespmem:$0x10080] =	vst v63  }
0x50: {  	v3 =	vperm.xlane v3, v2  }
0x51: {  	[tilespmem:s16], [sflag:$0x1] =	stream.indirect_vreg.gather [hbm4b:s4+s2], $0x80, v4, vm0, $0xb8;
	[tilespmem:$0x10080] =	vst v63  }
0x52: {  	v3 =	vadd.s32 v1, v3  }
0x53: {  	[tilespmem:s17], [sflag:$0x1] =	stream.indirect_vreg.gather [hbm4b:s5+s2], $0x80, v4, vm0, $0xb8;
	[tilespmem:$0x10080] =	vst v63  }
0x54: {  	_ = 	snop  }
0x55: {  	[tilespmem:s18], [sflag:$0x1] =	stream.indirect_vreg.gather [hbm4b:s6+s2], $0x80, v4, vm0, $0xb8;
	[tilespmem:$0x10080] =	vst v63  }
0x56: {  	_ = 	snop  }
0x57: {  	[tilespmem:s19], [sflag:$0x1] =	stream.indirect_vreg.gather [hbm4b:s3+s2], $0x80, v3, vm0, $0xb8;
	[tilespmem:$0x10080] =	vst v63  }
0x58: {  	_ = 	snop  }
0x59: {  	[tilespmem:s20], [sflag:$0x1] =	stream.indirect_vreg.gather [hbm4b:s4+s2], $0x80, v3, vm0, $0xb8;
	[tilespmem:$0x10080] =	vst v63  }
0x5a: {  	_ = 	snop  }
0x5b: {  	[tilespmem:s21], [sflag:$0x1] =	stream.indirect_vreg.gather [hbm4b:s5+s2], $0x80, v3, vm0, $0xb8;
	[tilespmem:$0x10080] =	vst v63  }
0x5c: {  	_ = 	snop  }
0x5d: {  	[tilespmem:s22], [sflag:$0x1] =	stream.indirect_vreg.gather [hbm4b:s6+s2], $0x80, v3, vm0, $0xb8;
	[tilespmem:$0x10080] =	vst v63  }
0x5e: {  	v3 =	vld [tilespmem:$0x30];
	_ =	sdelay $0x4  }
0x5f: {  	v63 =	vshll.u32 v3, $0x3  }
0x60: {  	v3 =	vand.u32 $0x7, v3;
	v4 =	vand.u32 $0xFFFFFFC0, v63  }
0x61: {  	v3 =	vor.u32 v3, v4  }
0x62: {  	v4 =	vperm.xlane v3, v0;
	_ =	sdelay $0x1  }
0x63: {  	v4 =	vadd.s32 v1, v4;
	_ =	sdelay $0x4  }
0x64: {  	[tilespmem:s23], [sflag:$0x1] =	stream.indirect_vreg.gather [hbm4b:s3+s2], $0x80, v4, vm0, $0xb8;
	[tilespmem:$0x10080] =	vst v63  }
0x65: {  	v3 =	vperm.xlane v3, v2  }
0x66: {  	[tilespmem:s24], [sflag:$0x1] =	stream.indirect_vreg.gather [hbm4b:s4+s2], $0x80, v4, vm0, $0xb8;
	[tilespmem:$0x10080] =	vst v63  }
0x67: {  	v3 =	vadd.s32 v1, v3  }
0x68: {  	[tilespmem:s25], [sflag:$0x1] =	stream.indirect_vreg.gather [hbm4b:s5+s2], $0x80, v4, vm0, $0xb8;
	[tilespmem:$0x10080] =	vst v63  }
0x69: {  	_ = 	snop  }
0x6a: {  	[tilespmem:s26], [sflag:$0x1] =	stream.indirect_vreg.gather [hbm4b:s6+s2], $0x80, v4, vm0, $0xb8;
	[tilespmem:$0x10080] =	vst v63  }
0x6b: {  	_ = 	snop  }
0x6c: {  	[tilespmem:s28], [sflag:$0x1] =	stream.indirect_vreg.gather [hbm4b:s3+s2], $0x80, v3, vm0, $0xb8;
	[tilespmem:$0x10080] =	vst v63  }
0x6d: {  	_ = 	snop  }
0x6e: {  	[tilespmem:s29], [sflag:$0x1] =	stream.indirect_vreg.gather [hbm4b:s4+s2], $0x80, v3, vm0, $0xb8;
	[tilespmem:$0x10080] =	vst v63  }
0x6f: {  	_ = 	snop  }
0x70: {  	[tilespmem:s30], [sflag:$0x1] =	stream.indirect_vreg.gather [hbm4b:s5+s2], $0x80, v3, vm0, $0xb8;
	[tilespmem:$0x10080] =	vst v63  }
0x71: {  	_ = 	snop  }
0x72: {  	[tilespmem:s31], [sflag:$0x1] =	stream.indirect_vreg.gather [hbm4b:s6+s2], $0x80, v3, vm0, $0xb8;
	[tilespmem:$0x10080] =	vst v63  }
0x73: {  	_ =	swait.ge [sflag:s1], $0x10000  }
0x74: {  	p0 =	sne.s32 s7, $0x1;
	[sflag:s1] =	ssyncset.done $0x0  }
.Ltmp0:
0x75: {  	s10 =	rddreg [dreg:$0x4];
	[sflag:s1] =	ssyncadd.s32 $0xFFFF0000;
	(pc) =	sbr.rel @p0 .LBB2_1-.Ltmp0, $4  }
0x76: {  	[hbm4b:s10+s2] =	stream.linear.scatter [tilespmem:s9], [sflag:$0x2], $0x10000, $0x38;
	[tilespmem:$0x10080] =	vst v63  }
0x77: {  	_ =	swait.ge [sflag:s8], $0x10000  }
0x78: {  	[sflag:s8] =	ssyncset.done $0x0  }
0x79: {  	s7 =	sadd.s32 $0xFFFFFFFF, s7;
	[sflag:s8] =	ssyncadd.s32 $0xFFFF0000  }
0x7a: {  	_ =	sfence.sel $0x180000  }
0x7b: {  	[bflag:$0x0] =	sbarrier.arrive $0xFFFF  }
0x7c: {  	_ =	strace $0x9000004A  }
0x7d: {  	s0 =	stileid.u32;
	[bflag:$0x2] =	sbarrier.arrive $0xFFFF  }
0x7e: {  	p0 =	sne.s32 s0, $0x0;
	s0 =	rddreg [dreg:$0x2]  }
0x7f: {  	s0 =	sadd.s32 @!p0 $0x100000, s0  }
0x80: {  	[sflag:s0] =	ssyncadd.tile.s32 @!p0 $0x1;
	_ =	shalt  }
.Lfunc_end2:
_tile_overlayer_lowered:
.L_overlay_start_2:
0x81: {  	(tag) =	ssettag $0x2  }
0x82: {  	s0 =	rddreg [dreg:$0x0];
	s2 =	stileid.u32  }
0x83: {  	s1 =	rddreg [dreg:$0x1];
	p0 =	sne.s32 s2, $0x0  }
0x84: {  	s3 =	rddreg [dreg:$0x2];
	[bflag:$0x3] =	sbarrier.arrive $0xFFFF;
	s2 =	simm.s32 @!p0 $0x1C02  }
0x85: {  	[timem:s3], [sflag:s2] =	dma.local @!p0 [hbm:s0], s1  }
0x86: {  	s0 =	simm.s32 @!p0 $0x2  }
0x87: {  	_ =	swait.ge @!p0 [sflag:s0], s1  }
0x88: {  	s1 =	ssub.s32 @!p0 $0x0, s1;
	[sflag:s0] =	ssyncset.done @!p0 $0x0  }
0x89: {  	[sflag:s0] =	ssyncadd.s32 @!p0 s1  }
0x8a: {  	[bflag:$0x3] =	sbarrier.arrive $0xFFFF  }
0x8b: {  	_ =	shalt  }

</sc_bundles>
